<compile_context>
chip_gen: v7x
topology: tpu7x:2x2x1
jax: 0.10.2.dev20260603
libtpu: 0.0.44.dev20260713+nightly
codegen_flags: <defaults>
</compile_context>

<pallas_src>
import functools
import math

import jax
import jax.numpy as jnp
from jax import lax
from jax.experimental import pallas as pl
from jax.experimental.pallas import tpu as pltpu
from jax.experimental.pallas import tpu_sc as plsc

VOCAB = 1000000
D_MODEL = 64
BATCH = 4096
HIST = 200

NC = 2
NS = 16
NW = NC * NS
B = BATCH * HIST
C = 128
G4 = 4
R = C * G4
RPW = B // NW
NCH = RPW // C
NG = RPW // R
NBUF = 3
SCALE = math.sqrt(float(D_MODEL))

VBLK = 32768
NBLK = (VOCAB + VBLK - 1) // VBLK
PK_ROWS = NBLK * (VBLK // 2)

_mesh = plsc.VectorSubcoreMesh(core_axis_name="c", subcore_axis_name="s")


def _untile_body(in_ref, out_ref):
    blk = in_ref[...]
    h = VBLK // 2
    m = jnp.concatenate([blk[:, :h], blk[:, h:]], axis=0)
    out_ref[...] = m.T * SCALE


_untile = pl.pallas_call(
    _untile_body,
    grid=(NBLK,),
    in_specs=[pl.BlockSpec((D_MODEL, VBLK), lambda i: (0, i))],
    out_specs=pl.BlockSpec((VBLK // 2, 2 * D_MODEL), lambda i: (i, 0)),
    out_shape=jax.ShapeDtypeStruct((PK_ROWS, 2 * D_MODEL), jnp.float32),
)


@functools.partial(
    pl.kernel,
    out_type=jax.ShapeDtypeStruct((B, 2 * D_MODEL), jnp.float32),
    mesh=_mesh,
    compiler_params=pltpu.CompilerParams(use_tc_tiling_on_sc=False),
    scratch_types=[
        pltpu.VMEM((NCH, C), jnp.int32),
        pltpu.VMEM((NBUF, R, D_MODEL), jnp.float32),
        pltpu.SemaphoreType.DMA,
        pltpu.SemaphoreType.DMA,
        pltpu.SemaphoreType.DMA,
        pltpu.SemaphoreType.DMA,
        pltpu.SemaphoreType.DMA,
        pltpu.SemaphoreType.DMA,
    ],
)
def _emb_kernel(lut_hbm, idx_hbm, out_hbm, idx_v, rows_v, g0, g1, g2, s0, s1, s2):
    gsem = (g0, g1, g2)
    ssem = (s0, s1, s2)
    wid = lax.axis_index("s") * NC + lax.axis_index("c")
    row0 = wid * RPW

    pltpu.sync_copy(idx_hbm.at[pl.ds(wid * NCH, NCH)], idx_v)

    def fire_group(g, b):
        for j in range(G4):
            pltpu.async_copy(
                lut_hbm.at[idx_v.at[g * G4 + j]],
                rows_v.at[b, pl.ds(j * C, C)],
                gsem[b],
            )

    def wait_group(g, b):
        for j in range(G4):
            pltpu.make_async_copy(
                lut_hbm.at[idx_v.at[g * G4 + j]],
                rows_v.at[b, pl.ds(j * C, C)],
                gsem[b],
            ).wait()

    def fire_scatter(g, b):
        pltpu.async_copy(
            rows_v.at[b],
            out_hbm.at[pl.ds(row0 + g * R, R), pl.ds(0, D_MODEL)],
            ssem[b],
        )

    def wait_scatter(g, b):
        pltpu.make_async_copy(
            rows_v.at[b],
            out_hbm.at[pl.ds(row0 + g * R, R), pl.ds(0, D_MODEL)],
            ssem[b],
        ).wait()

    fire_group(0, 0)
    fire_group(1, 1)

    def step(t, _):
        for b in range(NBUF):
            g = t * NBUF + b

            @pl.when(g < NG)
            def _():
                wait_group(g, b)
                fire_scatter(g, b)
                bn = (b + 2) % NBUF

                @pl.when(jnp.logical_and(g >= 1, g + 2 < NG))
                def _():
                    wait_scatter(g - 1, bn)

                @pl.when(g + 2 < NG)
                def _():
                    fire_group(g + 2, bn)
        return 0

    lax.fori_loop(0, (NG + NBUF - 1) // NBUF, step, 0)

    for g in (NG - 3, NG - 2, NG - 1):
        wait_scatter(g, g % NBUF)


def kernel(x, lut):
    lut_pk = _untile(jnp.transpose(lut))
    lut2 = lut_pk.reshape(2 * PK_ROWS, D_MODEL)
    xi = x.astype(jnp.int32)
    r = ((xi >> 15) << 15) | ((xi & 16383) << 1) | ((xi >> 14) & 1)
    idx2d = r.reshape(B // C, C)
    out = _emb_kernel(lut2, idx2d)
    return out[:, :D_MODEL].reshape(BATCH, HIST, D_MODEL)

# --- scband reference (transcript-rebuilt; emitter-appended) ---
"""Pipeline reference for scband-embeddings-51694226375460 (READ-ONLY COPY).

The authoritative reference and input builder live on the scoring server;
editing this copy changes nothing except your own understanding.
"""

import jax, jax.numpy as jnp
import numpy as np
import math

VOCAB = 1000000
D_MODEL = 64
BATCH = 4096
HIST = 200

def setup_inputs(seed: int = 0) -> dict:
    key = jax.random.key(seed)
    k1, k2 = jax.random.split(key)
    x = jax.random.randint(k1, (BATCH, HIST), 0, VOCAB, dtype=jnp.int64 if jax.config.jax_enable_x64 else jnp.int32)
    lut = jax.random.normal(k2, (VOCAB, D_MODEL), dtype=jnp.float32)
    return {"x": x, "lut": lut}

def reference(x, lut):
    # Embeddings.forward: self.lut(x.long()) * sqrt(d_model)
    emb = jnp.take(lut, x, axis=0)
    return emb * math.sqrt(D_MODEL)

if __name__ == "__main__":
    import jax
    _d = setup_inputs()
    print(jax.jit(kernel)(*tuple(_d.values())))

</pallas_src>

<mosaic_0001>
#map = affine_map<(d0, d1) -> (0, 0)>
module attributes {stable_mosaic.version = 14 : i64} {
  func.func @_emb_kernel(%arg0: i32, %arg1: i32, %arg2: memref<1015808x64xf32, #tpu.memory_space<hbm>>, %arg3: memref<6400x128xi32, #tpu.memory_space<hbm>>, %arg4: memref<819200x128xf32, #tpu.memory_space<hbm>>, %arg5: memref<200x128xi32, #tpu.memory_space<vmem>>, %arg6: memref<3x512x64xf32, #tpu.memory_space<vmem>>, %arg7: memref<!tpu.dma_semaphore, #tpu.memory_space<semaphore_mem>>, %arg8: memref<!tpu.dma_semaphore, #tpu.memory_space<semaphore_mem>>, %arg9: memref<!tpu.dma_semaphore, #tpu.memory_space<semaphore_mem>>, %arg10: memref<!tpu.dma_semaphore, #tpu.memory_space<semaphore_mem>>, %arg11: memref<!tpu.dma_semaphore, #tpu.memory_space<semaphore_mem>>, %arg12: memref<!tpu.dma_semaphore, #tpu.memory_space<semaphore_mem>>) attributes {dimension_semantics = [#tpu.dimension_semantics<core_parallel>, #tpu.dimension_semantics<subcore_parallel>], iteration_bounds = array<i64: 2, 16>, scalar_prefetch = 0 : i64, scratch_operands = 8 : i64, tpu.core_type = #tpu.core_type<sc_vector_subcore>, window_params = [{transform_indices = #map}, {transform_indices = #map}, {transform_indices = #map}]} {
    %mul3A = arith.constant 2 : i32
    %mul3A_0 = arith.muli %arg1, %mul3A : i32
    %add3A = arith.addi %mul3A_0, %arg0 : i32
    %mul3A_1 = arith.constant 25600 : i32
    %mul3A_2 = arith.muli %add3A, %mul3A_1 : i32
    %mul3A_3 = arith.constant 200 : i32
    %mul3A_4 = arith.muli %add3A, %mul3A_3 : i32
    "tpu.region"() ({
      %run_scoped3A = tpu.sem_alloc : memref<!tpu.dma_semaphore, #tpu.memory_space<semaphore_mem>>
      %dma_start3A_150 = arith.constant 0 : i32
      %dma_start3A_151 = tpu.memref_slice %arg3[%mul3A_4, %dma_start3A_150] : memref<6400x128xi32, #tpu.memory_space<hbm>> -> memref<200x128xi32, #tpu.memory_space<hbm>>
      %dma_start3A_152 = arith.constant 0 : i32
      %dma_start3A_153 = tpu.memref_slice %arg3[%mul3A_4, %dma_start3A_152] : memref<6400x128xi32, #tpu.memory_space<hbm>> -> memref<200x128xi32, #tpu.memory_space<hbm>>
      tpu.enqueue_dma source(%dma_start3A_153 : memref<200x128xi32, #tpu.memory_space<hbm>>) target(%arg5 : memref<200x128xi32, #tpu.memory_space<vmem>>) target_semaphore(%run_scoped3A : memref<!tpu.dma_semaphore, #tpu.memory_space<semaphore_mem>>)
      %dma_wait3A_154 = arith.constant 0 : i32
      %dma_wait3A_155 = tpu.memref_slice %arg3[%mul3A_4, %dma_wait3A_154] : memref<6400x128xi32, #tpu.memory_space<hbm>> -> memref<200x128xi32, #tpu.memory_space<hbm>>
      %dma_wait3A_156 = arith.constant 0 : i32
      %dma_wait3A_157 = tpu.memref_slice %arg3[%mul3A_4, %dma_wait3A_156] : memref<6400x128xi32, #tpu.memory_space<hbm>> -> memref<200x128xi32, #tpu.memory_space<hbm>>
      tpu.wait_dma2 semaphore(%run_scoped3A : memref<!tpu.dma_semaphore, #tpu.memory_space<semaphore_mem>>) src(%dma_wait3A_157 : memref<200x128xi32, #tpu.memory_space<hbm>>) dst(%arg5 : memref<200x128xi32, #tpu.memory_space<vmem>>)
      tpu.yield
    }) : () -> ()
    %dma_start3A = arith.constant 0 : i32
    %dma_start3A_5 = arith.constant 0 : i32
    %dma_start3A_6 = arith.constant 0 : i32
    %dma_start3A_7 = arith.constant 0 : i32
    %dma_start3A_8 = tpu.memref_slice %arg6[%dma_start3A_5, %dma_start3A_6, %dma_start3A_7] : memref<3x512x64xf32, #tpu.memory_space<vmem>> -> memref<1x128x64xf32, #tpu.memory_space<vmem>>
    %dma_start3A_9 = tpu.memref_squeeze %dma_start3A_8 : memref<1x128x64xf32, #tpu.memory_space<vmem>> -> memref<128x64xf32, #tpu.memory_space<vmem>>
    %dma_start3A_10 = arith.constant 0 : i32
    %dma_start3A_11 = tpu.memref_slice %arg5[%dma_start3A, %dma_start3A_10] : memref<200x128xi32, #tpu.memory_space<vmem>> -> memref<1x128xi32, #tpu.memory_space<vmem>>
    %dma_start3A_12 = tpu.memref_squeeze %dma_start3A_11 : memref<1x128xi32, #tpu.memory_space<vmem>> -> memref<128xi32, #tpu.memory_space<vmem>>
    %dma_start3A_13 = arith.constant 0 : i32
    %dma_start3A_14 = arith.constant 0 : i32
    %dma_start3A_15 = tpu.memref_slice %arg2[%dma_start3A_13, %dma_start3A_14] : memref<1015808x64xf32, #tpu.memory_space<hbm>> -> memref<1015808x64xf32, #tpu.memory_space<hbm>>
    tpu.enqueue_indirect_dma source(%dma_start3A_15 : memref<1015808x64xf32, #tpu.memory_space<hbm>>) target(%dma_start3A_9 : memref<128x64xf32, #tpu.memory_space<vmem>>) offsets(%dma_start3A_12 : memref<128xi32, #tpu.memory_space<vmem>>) semaphore(%arg7 : memref<!tpu.dma_semaphore, #tpu.memory_space<semaphore_mem>>)
    %dma_start3A_16 = arith.constant 1 : i32
    %dma_start3A_17 = arith.constant 0 : i32
    %dma_start3A_18 = arith.constant 128 : i32
    %dma_start3A_19 = arith.constant 0 : i32
    %dma_start3A_20 = tpu.memref_slice %arg6[%dma_start3A_17, %dma_start3A_18, %dma_start3A_19] : memref<3x512x64xf32, #tpu.memory_space<vmem>> -> memref<1x128x64xf32, #tpu.memory_space<vmem>>
    %dma_start3A_21 = tpu.memref_squeeze %dma_start3A_20 : memref<1x128x64xf32, #tpu.memory_space<vmem>> -> memref<128x64xf32, #tpu.memory_space<vmem>>
    %dma_start3A_22 = arith.constant 0 : i32
    %dma_start3A_23 = tpu.memref_slice %arg5[%dma_start3A_16, %dma_start3A_22] : memref<200x128xi32, #tpu.memory_space<vmem>> -> memref<1x128xi32, #tpu.memory_space<vmem>>
    %dma_start3A_24 = tpu.memref_squeeze %dma_start3A_23 : memref<1x128xi32, #tpu.memory_space<vmem>> -> memref<128xi32, #tpu.memory_space<vmem>>
    %dma_start3A_25 = arith.constant 0 : i32
    %dma_start3A_26 = arith.constant 0 : i32
    %dma_start3A_27 = tpu.memref_slice %arg2[%dma_start3A_25, %dma_start3A_26] : memref<1015808x64xf32, #tpu.memory_space<hbm>> -> memref<1015808x64xf32, #tpu.memory_space<hbm>>
    tpu.enqueue_indirect_dma source(%dma_start3A_27 : memref<1015808x64xf32, #tpu.memory_space<hbm>>) target(%dma_start3A_21 : memref<128x64xf32, #tpu.memory_space<vmem>>) offsets(%dma_start3A_24 : memref<128xi32, #tpu.memory_space<vmem>>) semaphore(%arg7 : memref<!tpu.dma_semaphore, #tpu.memory_space<semaphore_mem>>)
    %dma_start3A_28 = arith.constant 2 : i32
    %dma_start3A_29 = arith.constant 0 : i32
    %dma_start3A_30 = arith.constant 256 : i32
    %dma_start3A_31 = arith.constant 0 : i32
    %dma_start3A_32 = tpu.memref_slice %arg6[%dma_start3A_29, %dma_start3A_30, %dma_start3A_31] : memref<3x512x64xf32, #tpu.memory_space<vmem>> -> memref<1x128x64xf32, #tpu.memory_space<vmem>>
    %dma_start3A_33 = tpu.memref_squeeze %dma_start3A_32 : memref<1x128x64xf32, #tpu.memory_space<vmem>> -> memref<128x64xf32, #tpu.memory_space<vmem>>
    %dma_start3A_34 = arith.constant 0 : i32
    %dma_start3A_35 = tpu.memref_slice %arg5[%dma_start3A_28, %dma_start3A_34] : memref<200x128xi32, #tpu.memory_space<vmem>> -> memref<1x128xi32, #tpu.memory_space<vmem>>
    %dma_start3A_36 = tpu.memref_squeeze %dma_start3A_35 : memref<1x128xi32, #tpu.memory_space<vmem>> -> memref<128xi32, #tpu.memory_space<vmem>>
    %dma_start3A_37 = arith.constant 0 : i32
    %dma_start3A_38 = arith.constant 0 : i32
    %dma_start3A_39 = tpu.memref_slice %arg2[%dma_start3A_37, %dma_start3A_38] : memref<1015808x64xf32, #tpu.memory_space<hbm>> -> memref<1015808x64xf32, #tpu.memory_space<hbm>>
    tpu.enqueue_indirect_dma source(%dma_start3A_39 : memref<1015808x64xf32, #tpu.memory_space<hbm>>) target(%dma_start3A_33 : memref<128x64xf32, #tpu.memory_space<vmem>>) offsets(%dma_start3A_36 : memref<128xi32, #tpu.memory_space<vmem>>) semaphore(%arg7 : memref<!tpu.dma_semaphore, #tpu.memory_space<semaphore_mem>>)
    %dma_start3A_40 = arith.constant 3 : i32
    %dma_start3A_41 = arith.constant 0 : i32
    %dma_start3A_42 = arith.constant 384 : i32
    %dma_start3A_43 = arith.constant 0 : i32
    %dma_start3A_44 = tpu.memref_slice %arg6[%dma_start3A_41, %dma_start3A_42, %dma_start3A_43] : memref<3x512x64xf32, #tpu.memory_space<vmem>> -> memref<1x128x64xf32, #tpu.memory_space<vmem>>
    %dma_start3A_45 = tpu.memref_squeeze %dma_start3A_44 : memref<1x128x64xf32, #tpu.memory_space<vmem>> -> memref<128x64xf32, #tpu.memory_space<vmem>>
    %dma_start3A_46 = arith.constant 0 : i32
    %dma_start3A_47 = tpu.memref_slice %arg5[%dma_start3A_40, %dma_start3A_46] : memref<200x128xi32, #tpu.memory_space<vmem>> -> memref<1x128xi32, #tpu.memory_space<vmem>>
    %dma_start3A_48 = tpu.memref_squeeze %dma_start3A_47 : memref<1x128xi32, #tpu.memory_space<vmem>> -> memref<128xi32, #tpu.memory_space<vmem>>
    %dma_start3A_49 = arith.constant 0 : i32
    %dma_start3A_50 = arith.constant 0 : i32
    %dma_start3A_51 = tpu.memref_slice %arg2[%dma_start3A_49, %dma_start3A_50] : memref<1015808x64xf32, #tpu.memory_space<hbm>> -> memref<1015808x64xf32, #tpu.memory_space<hbm>>
    tpu.enqueue_indirect_dma source(%dma_start3A_51 : memref<1015808x64xf32, #tpu.memory_space<hbm>>) target(%dma_start3A_45 : memref<128x64xf32, #tpu.memory_space<vmem>>) offsets(%dma_start3A_48 : memref<128xi32, #tpu.memory_space<vmem>>) semaphore(%arg7 : memref<!tpu.dma_semaphore, #tpu.memory_space<semaphore_mem>>)
    %dma_start3A_52 = arith.constant 4 : i32
    %dma_start3A_53 = arith.constant 1 : i32
    %dma_start3A_54 = arith.constant 0 : i32
    %dma_start3A_55 = arith.constant 0 : i32
    %dma_start3A_56 = tpu.memref_slice %arg6[%dma_start3A_53, %dma_start3A_54, %dma_start3A_55] : memref<3x512x64xf32, #tpu.memory_space<vmem>> -> memref<1x128x64xf32, #tpu.memory_space<vmem>>
    %dma_start3A_57 = tpu.memref_squeeze %dma_start3A_56 : memref<1x128x64xf32, #tpu.memory_space<vmem>> -> memref<128x64xf32, #tpu.memory_space<vmem>>
    %dma_start3A_58 = arith.constant 0 : i32
    %dma_start3A_59 = tpu.memref_slice %arg5[%dma_start3A_52, %dma_start3A_58] : memref<200x128xi32, #tpu.memory_space<vmem>> -> memref<1x128xi32, #tpu.memory_space<vmem>>
    %dma_start3A_60 = tpu.memref_squeeze %dma_start3A_59 : memref<1x128xi32, #tpu.memory_space<vmem>> -> memref<128xi32, #tpu.memory_space<vmem>>
    %dma_start3A_61 = arith.constant 0 : i32
    %dma_start3A_62 = arith.constant 0 : i32
    %dma_start3A_63 = tpu.memref_slice %arg2[%dma_start3A_61, %dma_start3A_62] : memref<1015808x64xf32, #tpu.memory_space<hbm>> -> memref<1015808x64xf32, #tpu.memory_space<hbm>>
    tpu.enqueue_indirect_dma source(%dma_start3A_63 : memref<1015808x64xf32, #tpu.memory_space<hbm>>) target(%dma_start3A_57 : memref<128x64xf32, #tpu.memory_space<vmem>>) offsets(%dma_start3A_60 : memref<128xi32, #tpu.memory_space<vmem>>) semaphore(%arg8 : memref<!tpu.dma_semaphore, #tpu.memory_space<semaphore_mem>>)
    %dma_start3A_64 = arith.constant 5 : i32
    %dma_start3A_65 = arith.constant 1 : i32
    %dma_start3A_66 = arith.constant 128 : i32
    %dma_start3A_67 = arith.constant 0 : i32
    %dma_start3A_68 = tpu.memref_slice %arg6[%dma_start3A_65, %dma_start3A_66, %dma_start3A_67] : memref<3x512x64xf32, #tpu.memory_space<vmem>> -> memref<1x128x64xf32, #tpu.memory_space<vmem>>
    %dma_start3A_69 = tpu.memref_squeeze %dma_start3A_68 : memref<1x128x64xf32, #tpu.memory_space<vmem>> -> memref<128x64xf32, #tpu.memory_space<vmem>>
    %dma_start3A_70 = arith.constant 0 : i32
    %dma_start3A_71 = tpu.memref_slice %arg5[%dma_start3A_64, %dma_start3A_70] : memref<200x128xi32, #tpu.memory_space<vmem>> -> memref<1x128xi32, #tpu.memory_space<vmem>>
    %dma_start3A_72 = tpu.memref_squeeze %dma_start3A_71 : memref<1x128xi32, #tpu.memory_space<vmem>> -> memref<128xi32, #tpu.memory_space<vmem>>
    %dma_start3A_73 = arith.constant 0 : i32
    %dma_start3A_74 = arith.constant 0 : i32
    %dma_start3A_75 = tpu.memref_slice %arg2[%dma_start3A_73, %dma_start3A_74] : memref<1015808x64xf32, #tpu.memory_space<hbm>> -> memref<1015808x64xf32, #tpu.memory_space<hbm>>
    tpu.enqueue_indirect_dma source(%dma_start3A_75 : memref<1015808x64xf32, #tpu.memory_space<hbm>>) target(%dma_start3A_69 : memref<128x64xf32, #tpu.memory_space<vmem>>) offsets(%dma_start3A_72 : memref<128xi32, #tpu.memory_space<vmem>>) semaphore(%arg8 : memref<!tpu.dma_semaphore, #tpu.memory_space<semaphore_mem>>)
    %dma_start3A_76 = arith.constant 6 : i32
    %dma_start3A_77 = arith.constant 1 : i32
    %dma_start3A_78 = arith.constant 256 : i32
    %dma_start3A_79 = arith.constant 0 : i32
    %dma_start3A_80 = tpu.memref_slice %arg6[%dma_start3A_77, %dma_start3A_78, %dma_start3A_79] : memref<3x512x64xf32, #tpu.memory_space<vmem>> -> memref<1x128x64xf32, #tpu.memory_space<vmem>>
    %dma_start3A_81 = tpu.memref_squeeze %dma_start3A_80 : memref<1x128x64xf32, #tpu.memory_space<vmem>> -> memref<128x64xf32, #tpu.memory_space<vmem>>
    %dma_start3A_82 = arith.constant 0 : i32
    %dma_start3A_83 = tpu.memref_slice %arg5[%dma_start3A_76, %dma_start3A_82] : memref<200x128xi32, #tpu.memory_space<vmem>> -> memref<1x128xi32, #tpu.memory_space<vmem>>
    %dma_start3A_84 = tpu.memref_squeeze %dma_start3A_83 : memref<1x128xi32, #tpu.memory_space<vmem>> -> memref<128xi32, #tpu.memory_space<vmem>>
    %dma_start3A_85 = arith.constant 0 : i32
    %dma_start3A_86 = arith.constant 0 : i32
    %dma_start3A_87 = tpu.memref_slice %arg2[%dma_start3A_85, %dma_start3A_86] : memref<1015808x64xf32, #tpu.memory_space<hbm>> -> memref<1015808x64xf32, #tpu.memory_space<hbm>>
    tpu.enqueue_indirect_dma source(%dma_start3A_87 : memref<1015808x64xf32, #tpu.memory_space<hbm>>) target(%dma_start3A_81 : memref<128x64xf32, #tpu.memory_space<vmem>>) offsets(%dma_start3A_84 : memref<128xi32, #tpu.memory_space<vmem>>) semaphore(%arg8 : memref<!tpu.dma_semaphore, #tpu.memory_space<semaphore_mem>>)
    %dma_start3A_88 = arith.constant 7 : i32
    %dma_start3A_89 = arith.constant 1 : i32
    %dma_start3A_90 = arith.constant 384 : i32
    %dma_start3A_91 = arith.constant 0 : i32
    %dma_start3A_92 = tpu.memref_slice %arg6[%dma_start3A_89, %dma_start3A_90, %dma_start3A_91] : memref<3x512x64xf32, #tpu.memory_space<vmem>> -> memref<1x128x64xf32, #tpu.memory_space<vmem>>
    %dma_start3A_93 = tpu.memref_squeeze %dma_start3A_92 : memref<1x128x64xf32, #tpu.memory_space<vmem>> -> memref<128x64xf32, #tpu.memory_space<vmem>>
    %dma_start3A_94 = arith.constant 0 : i32
    %dma_start3A_95 = tpu.memref_slice %arg5[%dma_start3A_88, %dma_start3A_94] : memref<200x128xi32, #tpu.memory_space<vmem>> -> memref<1x128xi32, #tpu.memory_space<vmem>>
    %dma_start3A_96 = tpu.memref_squeeze %dma_start3A_95 : memref<1x128xi32, #tpu.memory_space<vmem>> -> memref<128xi32, #tpu.memory_space<vmem>>
    %dma_start3A_97 = arith.constant 0 : i32
    %dma_start3A_98 = arith.constant 0 : i32
    %dma_start3A_99 = tpu.memref_slice %arg2[%dma_start3A_97, %dma_start3A_98] : memref<1015808x64xf32, #tpu.memory_space<hbm>> -> memref<1015808x64xf32, #tpu.memory_space<hbm>>
    tpu.enqueue_indirect_dma source(%dma_start3A_99 : memref<1015808x64xf32, #tpu.memory_space<hbm>>) target(%dma_start3A_93 : memref<128x64xf32, #tpu.memory_space<vmem>>) offsets(%dma_start3A_96 : memref<128xi32, #tpu.memory_space<vmem>>) semaphore(%arg8 : memref<!tpu.dma_semaphore, #tpu.memory_space<semaphore_mem>>)
    %scan3A = arith.constant 0 : i32
    %scan3A_100 = arith.constant 0 : i32
    %scan3A_101 = arith.constant 17 : i32
    %scan3A_102 = arith.addi %scan3A_100, %scan3A_101 : i32
    %scan3A_103 = arith.constant 1 : i32
    %scan3A_104 = scf.for %scan3A_150 = %scan3A_100 to %scan3A_102 step %scan3A_103 iter_args(%scan3A_151 = %scan3A) -> (i32)  : i32 {
      %mul3A_152 = arith.constant 3 : i32
      %mul3A_153 = arith.muli %scan3A_150, %mul3A_152 : i32
      %add3A_154 = arith.constant 0 : i32
      %add3A_155 = arith.addi %mul3A_153, %add3A_154 : i32
      %lt3A = arith.constant 50 : i32
      %lt3A_156 = arith.cmpi slt, %add3A_155, %lt3A : i32
      %convert_element_type3A = arith.extui %lt3A_156 : i1 to i32
      %cond3A = arith.constant 0 : i32
      %cond3A_157 = arith.cmpi ne, %convert_element_type3A, %cond3A : i32
      scf.if %cond3A_157 {
        %mul3A_177 = arith.constant 4 : i32
        %mul3A_178 = arith.muli %add3A_155, %mul3A_177 : i32
        %add3A_179 = arith.constant 0 : i32
        %add3A_180 = arith.addi %mul3A_178, %add3A_179 : i32
        %dma_wait3A_181 = arith.constant 0 : i32
        %dma_wait3A_182 = arith.constant 0 : i32
        %dma_wait3A_183 = arith.constant 0 : i32
        %dma_wait3A_184 = tpu.memref_slice %arg6[%dma_wait3A_181, %dma_wait3A_182, %dma_wait3A_183] : memref<3x512x64xf32, #tpu.memory_space<vmem>> -> memref<1x128x64xf32, #tpu.memory_space<vmem>>
        %dma_wait3A_185 = tpu.memref_squeeze %dma_wait3A_184 : memref<1x128x64xf32, #tpu.memory_space<vmem>> -> memref<128x64xf32, #tpu.memory_space<vmem>>
        %dma_wait3A_186 = arith.constant 0 : i32
        %dma_wait3A_187 = tpu.memref_slice %arg5[%add3A_180, %dma_wait3A_186] : memref<200x128xi32, #tpu.memory_space<vmem>> -> memref<1x128xi32, #tpu.memory_space<vmem>>
        %dma_wait3A_188 = tpu.memref_squeeze %dma_wait3A_187 : memref<1x128xi32, #tpu.memory_space<vmem>> -> memref<128xi32, #tpu.memory_space<vmem>>
        %dma_wait3A_189 = arith.constant 0 : i32
        %dma_wait3A_190 = arith.constant 0 : i32
        %dma_wait3A_191 = tpu.memref_slice %arg2[%dma_wait3A_189, %dma_wait3A_190] : memref<1015808x64xf32, #tpu.memory_space<hbm>> -> memref<1015808x64xf32, #tpu.memory_space<hbm>>
        tpu.wait_indirect_dma semaphore(%arg7 : memref<!tpu.dma_semaphore, #tpu.memory_space<semaphore_mem>>) src(%dma_wait3A_191 : memref<1015808x64xf32, #tpu.memory_space<hbm>>) dst(%dma_wait3A_185 : memref<128x64xf32, #tpu.memory_space<vmem>>)
        %mul3A_192 = arith.constant 4 : i32
        %mul3A_193 = arith.muli %add3A_155, %mul3A_192 : i32
        %add3A_194 = arith.constant 1 : i32
        %add3A_195 = arith.addi %mul3A_193, %add3A_194 : i32
        %dma_wait3A_196 = arith.constant 0 : i32
        %dma_wait3A_197 = arith.constant 128 : i32
        %dma_wait3A_198 = arith.constant 0 : i32
        %dma_wait3A_199 = tpu.memref_slice %arg6[%dma_wait3A_196, %dma_wait3A_197, %dma_wait3A_198] : memref<3x512x64xf32, #tpu.memory_space<vmem>> -> memref<1x128x64xf32, #tpu.memory_space<vmem>>
        %dma_wait3A_200 = tpu.memref_squeeze %dma_wait3A_199 : memref<1x128x64xf32, #tpu.memory_space<vmem>> -> memref<128x64xf32, #tpu.memory_space<vmem>>
        %dma_wait3A_201 = arith.constant 0 : i32
        %dma_wait3A_202 = tpu.memref_slice %arg5[%add3A_195, %dma_wait3A_201] : memref<200x128xi32, #tpu.memory_space<vmem>> -> memref<1x128xi32, #tpu.memory_space<vmem>>
        %dma_wait3A_203 = tpu.memref_squeeze %dma_wait3A_202 : memref<1x128xi32, #tpu.memory_space<vmem>> -> memref<128xi32, #tpu.memory_space<vmem>>
        %dma_wait3A_204 = arith.constant 0 : i32
        %dma_wait3A_205 = arith.constant 0 : i32
        %dma_wait3A_206 = tpu.memref_slice %arg2[%dma_wait3A_204, %dma_wait3A_205] : memref<1015808x64xf32, #tpu.memory_space<hbm>> -> memref<1015808x64xf32, #tpu.memory_space<hbm>>
        tpu.wait_indirect_dma semaphore(%arg7 : memref<!tpu.dma_semaphore, #tpu.memory_space<semaphore_mem>>) src(%dma_wait3A_206 : memref<1015808x64xf32, #tpu.memory_space<hbm>>) dst(%dma_wait3A_200 : memref<128x64xf32, #tpu.memory_space<vmem>>)
        %mul3A_207 = arith.constant 4 : i32
        %mul3A_208 = arith.muli %add3A_155, %mul3A_207 : i32
        %add3A_209 = arith.constant 2 : i32
        %add3A_210 = arith.addi %mul3A_208, %add3A_209 : i32
        %dma_wait3A_211 = arith.constant 0 : i32
        %dma_wait3A_212 = arith.constant 256 : i32
        %dma_wait3A_213 = arith.constant 0 : i32
        %dma_wait3A_214 = tpu.memref_slice %arg6[%dma_wait3A_211, %dma_wait3A_212, %dma_wait3A_213] : memref<3x512x64xf32, #tpu.memory_space<vmem>> -> memref<1x128x64xf32, #tpu.memory_space<vmem>>
        %dma_wait3A_215 = tpu.memref_squeeze %dma_wait3A_214 : memref<1x128x64xf32, #tpu.memory_space<vmem>> -> memref<128x64xf32, #tpu.memory_space<vmem>>
        %dma_wait3A_216 = arith.constant 0 : i32
        %dma_wait3A_217 = tpu.memref_slice %arg5[%add3A_210, %dma_wait3A_216] : memref<200x128xi32, #tpu.memory_space<vmem>> -> memref<1x128xi32, #tpu.memory_space<vmem>>
        %dma_wait3A_218 = tpu.memref_squeeze %dma_wait3A_217 : memref<1x128xi32, #tpu.memory_space<vmem>> -> memref<128xi32, #tpu.memory_space<vmem>>
        %dma_wait3A_219 = arith.constant 0 : i32
        %dma_wait3A_220 = arith.constant 0 : i32
        %dma_wait3A_221 = tpu.memref_slice %arg2[%dma_wait3A_219, %dma_wait3A_220] : memref<1015808x64xf32, #tpu.memory_space<hbm>> -> memref<1015808x64xf32, #tpu.memory_space<hbm>>
        tpu.wait_indirect_dma semaphore(%arg7 : memref<!tpu.dma_semaphore, #tpu.memory_space<semaphore_mem>>) src(%dma_wait3A_221 : memref<1015808x64xf32, #tpu.memory_space<hbm>>) dst(%dma_wait3A_215 : memref<128x64xf32, #tpu.memory_space<vmem>>)
        %mul3A_222 = arith.constant 4 : i32
        %mul3A_223 = arith.muli %add3A_155, %mul3A_222 : i32
        %add3A_224 = arith.constant 3 : i32
        %add3A_225 = arith.addi %mul3A_223, %add3A_224 : i32
        %dma_wait3A_226 = arith.constant 0 : i32
        %dma_wait3A_227 = arith.constant 384 : i32
        %dma_wait3A_228 = arith.constant 0 : i32
        %dma_wait3A_229 = tpu.memref_slice %arg6[%dma_wait3A_226, %dma_wait3A_227, %dma_wait3A_228] : memref<3x512x64xf32, #tpu.memory_space<vmem>> -> memref<1x128x64xf32, #tpu.memory_space<vmem>>
        %dma_wait3A_230 = tpu.memref_squeeze %dma_wait3A_229 : memref<1x128x64xf32, #tpu.memory_space<vmem>> -> memref<128x64xf32, #tpu.memory_space<vmem>>
        %dma_wait3A_231 = arith.constant 0 : i32
        %dma_wait3A_232 = tpu.memref_slice %arg5[%add3A_225, %dma_wait3A_231] : memref<200x128xi32, #tpu.memory_space<vmem>> -> memref<1x128xi32, #tpu.memory_space<vmem>>
        %dma_wait3A_233 = tpu.memref_squeeze %dma_wait3A_232 : memref<1x128xi32, #tpu.memory_space<vmem>> -> memref<128xi32, #tpu.memory_space<vmem>>
        %dma_wait3A_234 = arith.constant 0 : i32
        %dma_wait3A_235 = arith.constant 0 : i32
        %dma_wait3A_236 = tpu.memref_slice %arg2[%dma_wait3A_234, %dma_wait3A_235] : memref<1015808x64xf32, #tpu.memory_space<hbm>> -> memref<1015808x64xf32, #tpu.memory_space<hbm>>
        tpu.wait_indirect_dma semaphore(%arg7 : memref<!tpu.dma_semaphore, #tpu.memory_space<semaphore_mem>>) src(%dma_wait3A_236 : memref<1015808x64xf32, #tpu.memory_space<hbm>>) dst(%dma_wait3A_230 : memref<128x64xf32, #tpu.memory_space<vmem>>)
        %mul3A_237 = arith.constant 512 : i32
        %mul3A_238 = arith.muli %add3A_155, %mul3A_237 : i32
        %add3A_239 = arith.addi %mul3A_2, %mul3A_238 : i32
        %dma_start3A_240 = arith.constant 0 : i32
        %dma_start3A_241 = arith.constant 0 : i32
        %dma_start3A_242 = arith.constant 0 : i32
        %dma_start3A_243 = tpu.memref_slice %arg6[%dma_start3A_240, %dma_start3A_241, %dma_start3A_242] : memref<3x512x64xf32, #tpu.memory_space<vmem>> -> memref<1x512x64xf32, #tpu.memory_space<vmem>>
        %dma_start3A_244 = tpu.memref_squeeze %dma_start3A_243 : memref<1x512x64xf32, #tpu.memory_space<vmem>> -> memref<512x64xf32, #tpu.memory_space<vmem>>
        %dma_start3A_245 = arith.constant 0 : i32
        %dma_start3A_246 = tpu.memref_slice %arg4[%add3A_239, %dma_start3A_245] : memref<819200x128xf32, #tpu.memory_space<hbm>> -> memref<512x64xf32, #tpu.memory_space<hbm>>
        %dma_start3A_247 = arith.constant 0 : i32
        %dma_start3A_248 = tpu.memref_slice %arg4[%add3A_239, %dma_start3A_247] : memref<819200x128xf32, #tpu.memory_space<hbm>> -> memref<512x64xf32, #tpu.memory_space<hbm>>
        %dma_start3A_249 = arith.constant 0 : i32
        %dma_start3A_250 = arith.constant 0 : i32
        %dma_start3A_251 = tpu.memref_slice %arg6[%dma_start3A_240, %dma_start3A_249, %dma_start3A_250] : memref<3x512x64xf32, #tpu.memory_space<vmem>> -> memref<1x512x64xf32, #tpu.memory_space<vmem>>
        %dma_start3A_252 = tpu.memref_squeeze %dma_start3A_251 : memref<1x512x64xf32, #tpu.memory_space<vmem>> -> memref<512x64xf32, #tpu.memory_space<vmem>>
        tpu.enqueue_dma source(%dma_start3A_252 : memref<512x64xf32, #tpu.memory_space<vmem>>) target(%dma_start3A_248 : memref<512x64xf32, #tpu.memory_space<hbm>>) target_semaphore(%arg10 : memref<!tpu.dma_semaphore, #tpu.memory_space<semaphore_mem>>)
        %ge3A = arith.constant 1 : i32
        %ge3A_253 = arith.cmpi sge, %add3A_155, %ge3A : i32
        %add3A_254 = arith.constant 2 : i32
        %add3A_255 = arith.addi %add3A_155, %add3A_254 : i32
        %lt3A_256 = arith.constant 50 : i32
        %lt3A_257 = arith.cmpi slt, %add3A_255, %lt3A_256 : i32
        %and3A = arith.andi %ge3A_253, %lt3A_257 : i1
        %convert_element_type3A_258 = arith.extui %and3A : i1 to i32
        %cond3A_259 = arith.constant 0 : i32
        %cond3A_260 = arith.cmpi ne, %convert_element_type3A_258, %cond3A_259 : i32
        scf.if %cond3A_260 {
          %sub3A = arith.constant 1 : i32
          %sub3A_268 = arith.subi %add3A_155, %sub3A : i32
          %mul3A_269 = arith.constant 512 : i32
          %mul3A_270 = arith.muli %sub3A_268, %mul3A_269 : i32
          %add3A_271 = arith.addi %mul3A_2, %mul3A_270 : i32
          %dma_wait3A_272 = arith.constant 2 : i32
          %dma_wait3A_273 = arith.constant 0 : i32
          %dma_wait3A_274 = arith.constant 0 : i32
          %dma_wait3A_275 = tpu.memref_slice %arg6[%dma_wait3A_272, %dma_wait3A_273, %dma_wait3A_274] : memref<3x512x64xf32, #tpu.memory_space<vmem>> -> memref<1x512x64xf32, #tpu.memory_space<vmem>>
          %dma_wait3A_276 = tpu.memref_squeeze %dma_wait3A_275 : memref<1x512x64xf32, #tpu.memory_space<vmem>> -> memref<512x64xf32, #tpu.memory_space<vmem>>
          %dma_wait3A_277 = arith.constant 0 : i32
          %dma_wait3A_278 = tpu.memref_slice %arg4[%add3A_271, %dma_wait3A_277] : memref<819200x128xf32, #tpu.memory_space<hbm>> -> memref<512x64xf32, #tpu.memory_space<hbm>>
          %dma_wait3A_279 = arith.constant 0 : i32
          %dma_wait3A_280 = tpu.memref_slice %arg4[%add3A_271, %dma_wait3A_279] : memref<819200x128xf32, #tpu.memory_space<hbm>> -> memref<512x64xf32, #tpu.memory_space<hbm>>
          %dma_wait3A_281 = arith.constant 0 : i32
          %dma_wait3A_282 = arith.constant 0 : i32
          %dma_wait3A_283 = tpu.memref_slice %arg6[%dma_wait3A_272, %dma_wait3A_281, %dma_wait3A_282] : memref<3x512x64xf32, #tpu.memory_space<vmem>> -> memref<1x512x64xf32, #tpu.memory_space<vmem>>
          %dma_wait3A_284 = tpu.memref_squeeze %dma_wait3A_283 : memref<1x512x64xf32, #tpu.memory_space<vmem>> -> memref<512x64xf32, #tpu.memory_space<vmem>>
          tpu.wait_dma2 semaphore(%arg12 : memref<!tpu.dma_semaphore, #tpu.memory_space<semaphore_mem>>) src(%dma_wait3A_284 : memref<512x64xf32, #tpu.memory_space<vmem>>) dst(%dma_wait3A_280 : memref<512x64xf32, #tpu.memory_space<hbm>>)
        } else {
        }
        %add3A_261 = arith.constant 2 : i32
        %add3A_262 = arith.addi %add3A_155, %add3A_261 : i32
        %lt3A_263 = arith.constant 50 : i32
        %lt3A_264 = arith.cmpi slt, %add3A_262, %lt3A_263 : i32
        %convert_element_type3A_265 = arith.extui %lt3A_264 : i1 to i32
        %cond3A_266 = arith.constant 0 : i32
        %cond3A_267 = arith.cmpi ne, %convert_element_type3A_265, %cond3A_266 : i32
        scf.if %cond3A_267 {
          %add3A_268 = arith.constant 2 : i32
          %add3A_269 = arith.addi %add3A_155, %add3A_268 : i32
          %mul3A_270 = arith.constant 4 : i32
          %mul3A_271 = arith.muli %add3A_269, %mul3A_270 : i32
          %add3A_272 = arith.constant 0 : i32
          %add3A_273 = arith.addi %mul3A_271, %add3A_272 : i32
          %dma_start3A_274 = arith.constant 2 : i32
          %dma_start3A_275 = arith.constant 0 : i32
          %dma_start3A_276 = arith.constant 0 : i32
          %dma_start3A_277 = tpu.memref_slice %arg6[%dma_start3A_274, %dma_start3A_275, %dma_start3A_276] : memref<3x512x64xf32, #tpu.memory_space<vmem>> -> memref<1x128x64xf32, #tpu.memory_space<vmem>>
          %dma_start3A_278 = tpu.memref_squeeze %dma_start3A_277 : memref<1x128x64xf32, #tpu.memory_space<vmem>> -> memref<128x64xf32, #tpu.memory_space<vmem>>
          %dma_start3A_279 = arith.constant 0 : i32
          %dma_start3A_280 = tpu.memref_slice %arg5[%add3A_273, %dma_start3A_279] : memref<200x128xi32, #tpu.memory_space<vmem>> -> memref<1x128xi32, #tpu.memory_space<vmem>>
          %dma_start3A_281 = tpu.memref_squeeze %dma_start3A_280 : memref<1x128xi32, #tpu.memory_space<vmem>> -> memref<128xi32, #tpu.memory_space<vmem>>
          %dma_start3A_282 = arith.constant 0 : i32
          %dma_start3A_283 = arith.constant 0 : i32
          %dma_start3A_284 = tpu.memref_slice %arg2[%dma_start3A_282, %dma_start3A_283] : memref<1015808x64xf32, #tpu.memory_space<hbm>> -> memref<1015808x64xf32, #tpu.memory_space<hbm>>
          tpu.enqueue_indirect_dma source(%dma_start3A_284 : memref<1015808x64xf32, #tpu.memory_space<hbm>>) target(%dma_start3A_278 : memref<128x64xf32, #tpu.memory_space<vmem>>) offsets(%dma_start3A_281 : memref<128xi32, #tpu.memory_space<vmem>>) semaphore(%arg9 : memref<!tpu.dma_semaphore, #tpu.memory_space<semaphore_mem>>)
          %mul3A_285 = arith.constant 4 : i32
          %mul3A_286 = arith.muli %add3A_269, %mul3A_285 : i32
          %add3A_287 = arith.constant 1 : i32
          %add3A_288 = arith.addi %mul3A_286, %add3A_287 : i32
          %dma_start3A_289 = arith.constant 2 : i32
          %dma_start3A_290 = arith.constant 128 : i32
          %dma_start3A_291 = arith.constant 0 : i32
          %dma_start3A_292 = tpu.memref_slice %arg6[%dma_start3A_289, %dma_start3A_290, %dma_start3A_291] : memref<3x512x64xf32, #tpu.memory_space<vmem>> -> memref<1x128x64xf32, #tpu.memory_space<vmem>>
          %dma_start3A_293 = tpu.memref_squeeze %dma_start3A_292 : memref<1x128x64xf32, #tpu.memory_space<vmem>> -> memref<128x64xf32, #tpu.memory_space<vmem>>
          %dma_start3A_294 = arith.constant 0 : i32
          %dma_start3A_295 = tpu.memref_slice %arg5[%add3A_288, %dma_start3A_294] : memref<200x128xi32, #tpu.memory_space<vmem>> -> memref<1x128xi32, #tpu.memory_space<vmem>>
          %dma_start3A_296 = tpu.memref_squeeze %dma_start3A_295 : memref<1x128xi32, #tpu.memory_space<vmem>> -> memref<128xi32, #tpu.memory_space<vmem>>
          %dma_start3A_297 = arith.constant 0 : i32
          %dma_start3A_298 = arith.constant 0 : i32
          %dma_start3A_299 = tpu.memref_slice %arg2[%dma_start3A_297, %dma_start3A_298] : memref<1015808x64xf32, #tpu.memory_space<hbm>> -> memref<1015808x64xf32, #tpu.memory_space<hbm>>
          tpu.enqueue_indirect_dma source(%dma_start3A_299 : memref<1015808x64xf32, #tpu.memory_space<hbm>>) target(%dma_start3A_293 : memref<128x64xf32, #tpu.memory_space<vmem>>) offsets(%dma_start3A_296 : memref<128xi32, #tpu.memory_space<vmem>>) semaphore(%arg9 : memref<!tpu.dma_semaphore, #tpu.memory_space<semaphore_mem>>)
          %mul3A_300 = arith.constant 4 : i32
          %mul3A_301 = arith.muli %add3A_269, %mul3A_300 : i32
          %add3A_302 = arith.constant 2 : i32
          %add3A_303 = arith.addi %mul3A_301, %add3A_302 : i32
          %dma_start3A_304 = arith.constant 2 : i32
          %dma_start3A_305 = arith.constant 256 : i32
          %dma_start3A_306 = arith.constant 0 : i32
          %dma_start3A_307 = tpu.memref_slice %arg6[%dma_start3A_304, %dma_start3A_305, %dma_start3A_306] : memref<3x512x64xf32, #tpu.memory_space<vmem>> -> memref<1x128x64xf32, #tpu.memory_space<vmem>>
          %dma_start3A_308 = tpu.memref_squeeze %dma_start3A_307 : memref<1x128x64xf32, #tpu.memory_space<vmem>> -> memref<128x64xf32, #tpu.memory_space<vmem>>
          %dma_start3A_309 = arith.constant 0 : i32
          %dma_start3A_310 = tpu.memref_slice %arg5[%add3A_303, %dma_start3A_309] : memref<200x128xi32, #tpu.memory_space<vmem>> -> memref<1x128xi32, #tpu.memory_space<vmem>>
          %dma_start3A_311 = tpu.memref_squeeze %dma_start3A_310 : memref<1x128xi32, #tpu.memory_space<vmem>> -> memref<128xi32, #tpu.memory_space<vmem>>
          %dma_start3A_312 = arith.constant 0 : i32
          %dma_start3A_313 = arith.constant 0 : i32
          %dma_start3A_314 = tpu.memref_slice %arg2[%dma_start3A_312, %dma_start3A_313] : memref<1015808x64xf32, #tpu.memory_space<hbm>> -> memref<1015808x64xf32, #tpu.memory_space<hbm>>
          tpu.enqueue_indirect_dma source(%dma_start3A_314 : memref<1015808x64xf32, #tpu.memory_space<hbm>>) target(%dma_start3A_308 : memref<128x64xf32, #tpu.memory_space<vmem>>) offsets(%dma_start3A_311 : memref<128xi32, #tpu.memory_space<vmem>>) semaphore(%arg9 : memref<!tpu.dma_semaphore, #tpu.memory_space<semaphore_mem>>)
          %mul3A_315 = arith.constant 4 : i32
          %mul3A_316 = arith.muli %add3A_269, %mul3A_315 : i32
          %add3A_317 = arith.constant 3 : i32
          %add3A_318 = arith.addi %mul3A_316, %add3A_317 : i32
          %dma_start3A_319 = arith.constant 2 : i32
          %dma_start3A_320 = arith.constant 384 : i32
          %dma_start3A_321 = arith.constant 0 : i32
          %dma_start3A_322 = tpu.memref_slice %arg6[%dma_start3A_319, %dma_start3A_320, %dma_start3A_321] : memref<3x512x64xf32, #tpu.memory_space<vmem>> -> memref<1x128x64xf32, #tpu.memory_space<vmem>>
          %dma_start3A_323 = tpu.memref_squeeze %dma_start3A_322 : memref<1x128x64xf32, #tpu.memory_space<vmem>> -> memref<128x64xf32, #tpu.memory_space<vmem>>
          %dma_start3A_324 = arith.constant 0 : i32
          %dma_start3A_325 = tpu.memref_slice %arg5[%add3A_318, %dma_start3A_324] : memref<200x128xi32, #tpu.memory_space<vmem>> -> memref<1x128xi32, #tpu.memory_space<vmem>>
          %dma_start3A_326 = tpu.memref_squeeze %dma_start3A_325 : memref<1x128xi32, #tpu.memory_space<vmem>> -> memref<128xi32, #tpu.memory_space<vmem>>
          %dma_start3A_327 = arith.constant 0 : i32
          %dma_start3A_328 = arith.constant 0 : i32
          %dma_start3A_329 = tpu.memref_slice %arg2[%dma_start3A_327, %dma_start3A_328] : memref<1015808x64xf32, #tpu.memory_space<hbm>> -> memref<1015808x64xf32, #tpu.memory_space<hbm>>
          tpu.enqueue_indirect_dma source(%dma_start3A_329 : memref<1015808x64xf32, #tpu.memory_space<hbm>>) target(%dma_start3A_323 : memref<128x64xf32, #tpu.memory_space<vmem>>) offsets(%dma_start3A_326 : memref<128xi32, #tpu.memory_space<vmem>>) semaphore(%arg9 : memref<!tpu.dma_semaphore, #tpu.memory_space<semaphore_mem>>)
        } else {
        }
      } else {
      }
      %mul3A_158 = arith.constant 3 : i32
      %mul3A_159 = arith.muli %scan3A_150, %mul3A_158 : i32
      %add3A_160 = arith.constant 1 : i32
      %add3A_161 = arith.addi %mul3A_159, %add3A_160 : i32
      %lt3A_162 = arith.constant 50 : i32
      %lt3A_163 = arith.cmpi slt, %add3A_161, %lt3A_162 : i32
      %convert_element_type3A_164 = arith.extui %lt3A_163 : i1 to i32
      %cond3A_165 = arith.constant 0 : i32
      %cond3A_166 = arith.cmpi ne, %convert_element_type3A_164, %cond3A_165 : i32
      scf.if %cond3A_166 {
        %mul3A_177 = arith.constant 4 : i32
        %mul3A_178 = arith.muli %add3A_161, %mul3A_177 : i32
        %add3A_179 = arith.constant 0 : i32
        %add3A_180 = arith.addi %mul3A_178, %add3A_179 : i32
        %dma_wait3A_181 = arith.constant 1 : i32
        %dma_wait3A_182 = arith.constant 0 : i32
        %dma_wait3A_183 = arith.constant 0 : i32
        %dma_wait3A_184 = tpu.memref_slice %arg6[%dma_wait3A_181, %dma_wait3A_182, %dma_wait3A_183] : memref<3x512x64xf32, #tpu.memory_space<vmem>> -> memref<1x128x64xf32, #tpu.memory_space<vmem>>
        %dma_wait3A_185 = tpu.memref_squeeze %dma_wait3A_184 : memref<1x128x64xf32, #tpu.memory_space<vmem>> -> memref<128x64xf32, #tpu.memory_space<vmem>>
        %dma_wait3A_186 = arith.constant 0 : i32
        %dma_wait3A_187 = tpu.memref_slice %arg5[%add3A_180, %dma_wait3A_186] : memref<200x128xi32, #tpu.memory_space<vmem>> -> memref<1x128xi32, #tpu.memory_space<vmem>>
        %dma_wait3A_188 = tpu.memref_squeeze %dma_wait3A_187 : memref<1x128xi32, #tpu.memory_space<vmem>> -> memref<128xi32, #tpu.memory_space<vmem>>
        %dma_wait3A_189 = arith.constant 0 : i32
        %dma_wait3A_190 = arith.constant 0 : i32
        %dma_wait3A_191 = tpu.memref_slice %arg2[%dma_wait3A_189, %dma_wait3A_190] : memref<1015808x64xf32, #tpu.memory_space<hbm>> -> memref<1015808x64xf32, #tpu.memory_space<hbm>>
        tpu.wait_indirect_dma semaphore(%arg8 : memref<!tpu.dma_semaphore, #tpu.memory_space<semaphore_mem>>) src(%dma_wait3A_191 : memref<1015808x64xf32, #tpu.memory_space<hbm>>) dst(%dma_wait3A_185 : memref<128x64xf32, #tpu.memory_space<vmem>>)
        %mul3A_192 = arith.constant 4 : i32
        %mul3A_193 = arith.muli %add3A_161, %mul3A_192 : i32
        %add3A_194 = arith.constant 1 : i32
        %add3A_195 = arith.addi %mul3A_193, %add3A_194 : i32
        %dma_wait3A_196 = arith.constant 1 : i32
        %dma_wait3A_197 = arith.constant 128 : i32
        %dma_wait3A_198 = arith.constant 0 : i32
        %dma_wait3A_199 = tpu.memref_slice %arg6[%dma_wait3A_196, %dma_wait3A_197, %dma_wait3A_198] : memref<3x512x64xf32, #tpu.memory_space<vmem>> -> memref<1x128x64xf32, #tpu.memory_space<vmem>>
        %dma_wait3A_200 = tpu.memref_squeeze %dma_wait3A_199 : memref<1x128x64xf32, #tpu.memory_space<vmem>> -> memref<128x64xf32, #tpu.memory_space<vmem>>
        %dma_wait3A_201 = arith.constant 0 : i32
        %dma_wait3A_202 = tpu.memref_slice %arg5[%add3A_195, %dma_wait3A_201] : memref<200x128xi32, #tpu.memory_space<vmem>> -> memref<1x128xi32, #tpu.memory_space<vmem>>
        %dma_wait3A_203 = tpu.memref_squeeze %dma_wait3A_202 : memref<1x128xi32, #tpu.memory_space<vmem>> -> memref<128xi32, #tpu.memory_space<vmem>>
        %dma_wait3A_204 = arith.constant 0 : i32
        %dma_wait3A_205 = arith.constant 0 : i32
        %dma_wait3A_206 = tpu.memref_slice %arg2[%dma_wait3A_204, %dma_wait3A_205] : memref<1015808x64xf32, #tpu.memory_space<hbm>> -> memref<1015808x64xf32, #tpu.memory_space<hbm>>
        tpu.wait_indirect_dma semaphore(%arg8 : memref<!tpu.dma_semaphore, #tpu.memory_space<semaphore_mem>>) src(%dma_wait3A_206 : memref<1015808x64xf32, #tpu.memory_space<hbm>>) dst(%dma_wait3A_200 : memref<128x64xf32, #tpu.memory_space<vmem>>)
        %mul3A_207 = arith.constant 4 : i32
        %mul3A_208 = arith.muli %add3A_161, %mul3A_207 : i32
        %add3A_209 = arith.constant 2 : i32
        %add3A_210 = arith.addi %mul3A_208, %add3A_209 : i32
        %dma_wait3A_211 = arith.constant 1 : i32
        %dma_wait3A_212 = arith.constant 256 : i32
        %dma_wait3A_213 = arith.constant 0 : i32
        %dma_wait3A_214 = tpu.memref_slice %arg6[%dma_wait3A_211, %dma_wait3A_212, %dma_wait3A_213] : memref<3x512x64xf32, #tpu.memory_space<vmem>> -> memref<1x128x64xf32, #tpu.memory_space<vmem>>
        %dma_wait3A_215 = tpu.memref_squeeze %dma_wait3A_214 : memref<1x128x64xf32, #tpu.memory_space<vmem>> -> memref<128x64xf32, #tpu.memory_space<vmem>>
        %dma_wait3A_216 = arith.constant 0 : i32
        %dma_wait3A_217 = tpu.memref_slice %arg5[%add3A_210, %dma_wait3A_216] : memref<200x128xi32, #tpu.memory_space<vmem>> -> memref<1x128xi32, #tpu.memory_space<vmem>>
        %dma_wait3A_218 = tpu.memref_squeeze %dma_wait3A_217 : memref<1x128xi32, #tpu.memory_space<vmem>> -> memref<128xi32, #tpu.memory_space<vmem>>
        %dma_wait3A_219 = arith.constant 0 : i32
        %dma_wait3A_220 = arith.constant 0 : i32
        %dma_wait3A_221 = tpu.memref_slice %arg2[%dma_wait3A_219, %dma_wait3A_220] : memref<1015808x64xf32, #tpu.memory_space<hbm>> -> memref<1015808x64xf32, #tpu.memory_space<hbm>>
        tpu.wait_indirect_dma semaphore(%arg8 : memref<!tpu.dma_semaphore, #tpu.memory_space<semaphore_mem>>) src(%dma_wait3A_221 : memref<1015808x64xf32, #tpu.memory_space<hbm>>) dst(%dma_wait3A_215 : memref<128x64xf32, #tpu.memory_space<vmem>>)
        %mul3A_222 = arith.constant 4 : i32
        %mul3A_223 = arith.muli %add3A_161, %mul3A_222 : i32
        %add3A_224 = arith.constant 3 : i32
        %add3A_225 = arith.addi %mul3A_223, %add3A_224 : i32
        %dma_wait3A_226 = arith.constant 1 : i32
        %dma_wait3A_227 = arith.constant 384 : i32
        %dma_wait3A_228 = arith.constant 0 : i32
        %dma_wait3A_229 = tpu.memref_slice %arg6[%dma_wait3A_226, %dma_wait3A_227, %dma_wait3A_228] : memref<3x512x64xf32, #tpu.memory_space<vmem>> -> memref<1x128x64xf32, #tpu.memory_space<vmem>>
        %dma_wait3A_230 = tpu.memref_squeeze %dma_wait3A_229 : memref<1x128x64xf32, #tpu.memory_space<vmem>> -> memref<128x64xf32, #tpu.memory_space<vmem>>
        %dma_wait3A_231 = arith.constant 0 : i32
        %dma_wait3A_232 = tpu.memref_slice %arg5[%add3A_225, %dma_wait3A_231] : memref<200x128xi32, #tpu.memory_space<vmem>> -> memref<1x128xi32, #tpu.memory_space<vmem>>
        %dma_wait3A_233 = tpu.memref_squeeze %dma_wait3A_232 : memref<1x128xi32, #tpu.memory_space<vmem>> -> memref<128xi32, #tpu.memory_space<vmem>>
        %dma_wait3A_234 = arith.constant 0 : i32
        %dma_wait3A_235 = arith.constant 0 : i32
        %dma_wait3A_236 = tpu.memref_slice %arg2[%dma_wait3A_234, %dma_wait3A_235] : memref<1015808x64xf32, #tpu.memory_space<hbm>> -> memref<1015808x64xf32, #tpu.memory_space<hbm>>
        tpu.wait_indirect_dma semaphore(%arg8 : memref<!tpu.dma_semaphore, #tpu.memory_space<semaphore_mem>>) src(%dma_wait3A_236 : memref<1015808x64xf32, #tpu.memory_space<hbm>>) dst(%dma_wait3A_230 : memref<128x64xf32, #tpu.memory_space<vmem>>)
        %mul3A_237 = arith.constant 512 : i32
        %mul3A_238 = arith.muli %add3A_161, %mul3A_237 : i32
        %add3A_239 = arith.addi %mul3A_2, %mul3A_238 : i32
        %dma_start3A_240 = arith.constant 1 : i32
        %dma_start3A_241 = arith.constant 0 : i32
        %dma_start3A_242 = arith.constant 0 : i32
        %dma_start3A_243 = tpu.memref_slice %arg6[%dma_start3A_240, %dma_start3A_241, %dma_start3A_242] : memref<3x512x64xf32, #tpu.memory_space<vmem>> -> memref<1x512x64xf32, #tpu.memory_space<vmem>>
        %dma_start3A_244 = tpu.memref_squeeze %dma_start3A_243 : memref<1x512x64xf32, #tpu.memory_space<vmem>> -> memref<512x64xf32, #tpu.memory_space<vmem>>
        %dma_start3A_245 = arith.constant 0 : i32
        %dma_start3A_246 = tpu.memref_slice %arg4[%add3A_239, %dma_start3A_245] : memref<819200x128xf32, #tpu.memory_space<hbm>> -> memref<512x64xf32, #tpu.memory_space<hbm>>
        %dma_start3A_247 = arith.constant 0 : i32
        %dma_start3A_248 = tpu.memref_slice %arg4[%add3A_239, %dma_start3A_247] : memref<819200x128xf32, #tpu.memory_space<hbm>> -> memref<512x64xf32, #tpu.memory_space<hbm>>
        %dma_start3A_249 = arith.constant 0 : i32
        %dma_start3A_250 = arith.constant 0 : i32
        %dma_start3A_251 = tpu.memref_slice %arg6[%dma_start3A_240, %dma_start3A_249, %dma_start3A_250] : memref<3x512x64xf32, #tpu.memory_space<vmem>> -> memref<1x512x64xf32, #tpu.memory_space<vmem>>
        %dma_start3A_252 = tpu.memref_squeeze %dma_start3A_251 : memref<1x512x64xf32, #tpu.memory_space<vmem>> -> memref<512x64xf32, #tpu.memory_space<vmem>>
        tpu.enqueue_dma source(%dma_start3A_252 : memref<512x64xf32, #tpu.memory_space<vmem>>) target(%dma_start3A_248 : memref<512x64xf32, #tpu.memory_space<hbm>>) target_semaphore(%arg11 : memref<!tpu.dma_semaphore, #tpu.memory_space<semaphore_mem>>)
        %ge3A = arith.constant 1 : i32
        %ge3A_253 = arith.cmpi sge, %add3A_161, %ge3A : i32
        %add3A_254 = arith.constant 2 : i32
        %add3A_255 = arith.addi %add3A_161, %add3A_254 : i32
        %lt3A_256 = arith.constant 50 : i32
        %lt3A_257 = arith.cmpi slt, %add3A_255, %lt3A_256 : i32
        %and3A = arith.andi %ge3A_253, %lt3A_257 : i1
        %convert_element_type3A_258 = arith.extui %and3A : i1 to i32
        %cond3A_259 = arith.constant 0 : i32
        %cond3A_260 = arith.cmpi ne, %convert_element_type3A_258, %cond3A_259 : i32
        scf.if %cond3A_260 {
          %sub3A = arith.constant 1 : i32
          %sub3A_268 = arith.subi %add3A_161, %sub3A : i32
          %mul3A_269 = arith.constant 512 : i32
          %mul3A_270 = arith.muli %sub3A_268, %mul3A_269 : i32
          %add3A_271 = arith.addi %mul3A_2, %mul3A_270 : i32
          %dma_wait3A_272 = arith.constant 0 : i32
          %dma_wait3A_273 = arith.constant 0 : i32
          %dma_wait3A_274 = arith.constant 0 : i32
          %dma_wait3A_275 = tpu.memref_slice %arg6[%dma_wait3A_272, %dma_wait3A_273, %dma_wait3A_274] : memref<3x512x64xf32, #tpu.memory_space<vmem>> -> memref<1x512x64xf32, #tpu.memory_space<vmem>>
          %dma_wait3A_276 = tpu.memref_squeeze %dma_wait3A_275 : memref<1x512x64xf32, #tpu.memory_space<vmem>> -> memref<512x64xf32, #tpu.memory_space<vmem>>
          %dma_wait3A_277 = arith.constant 0 : i32
          %dma_wait3A_278 = tpu.memref_slice %arg4[%add3A_271, %dma_wait3A_277] : memref<819200x128xf32, #tpu.memory_space<hbm>> -> memref<512x64xf32, #tpu.memory_space<hbm>>
          %dma_wait3A_279 = arith.constant 0 : i32
          %dma_wait3A_280 = tpu.memref_slice %arg4[%add3A_271, %dma_wait3A_279] : memref<819200x128xf32, #tpu.memory_space<hbm>> -> memref<512x64xf32, #tpu.memory_space<hbm>>
          %dma_wait3A_281 = arith.constant 0 : i32
          %dma_wait3A_282 = arith.constant 0 : i32
          %dma_wait3A_283 = tpu.memref_slice %arg6[%dma_wait3A_272, %dma_wait3A_281, %dma_wait3A_282] : memref<3x512x64xf32, #tpu.memory_space<vmem>> -> memref<1x512x64xf32, #tpu.memory_space<vmem>>
          %dma_wait3A_284 = tpu.memref_squeeze %dma_wait3A_283 : memref<1x512x64xf32, #tpu.memory_space<vmem>> -> memref<512x64xf32, #tpu.memory_space<vmem>>
          tpu.wait_dma2 semaphore(%arg10 : memref<!tpu.dma_semaphore, #tpu.memory_space<semaphore_mem>>) src(%dma_wait3A_284 : memref<512x64xf32, #tpu.memory_space<vmem>>) dst(%dma_wait3A_280 : memref<512x64xf32, #tpu.memory_space<hbm>>)
        } else {
        }
        %add3A_261 = arith.constant 2 : i32
        %add3A_262 = arith.addi %add3A_161, %add3A_261 : i32
        %lt3A_263 = arith.constant 50 : i32
        %lt3A_264 = arith.cmpi slt, %add3A_262, %lt3A_263 : i32
        %convert_element_type3A_265 = arith.extui %lt3A_264 : i1 to i32
        %cond3A_266 = arith.constant 0 : i32
        %cond3A_267 = arith.cmpi ne, %convert_element_type3A_265, %cond3A_266 : i32
        scf.if %cond3A_267 {
          %add3A_268 = arith.constant 2 : i32
          %add3A_269 = arith.addi %add3A_161, %add3A_268 : i32
          %mul3A_270 = arith.constant 4 : i32
          %mul3A_271 = arith.muli %add3A_269, %mul3A_270 : i32
          %add3A_272 = arith.constant 0 : i32
          %add3A_273 = arith.addi %mul3A_271, %add3A_272 : i32
          %dma_start3A_274 = arith.constant 0 : i32
          %dma_start3A_275 = arith.constant 0 : i32
          %dma_start3A_276 = arith.constant 0 : i32
          %dma_start3A_277 = tpu.memref_slice %arg6[%dma_start3A_274, %dma_start3A_275, %dma_start3A_276] : memref<3x512x64xf32, #tpu.memory_space<vmem>> -> memref<1x128x64xf32, #tpu.memory_space<vmem>>
          %dma_start3A_278 = tpu.memref_squeeze %dma_start3A_277 : memref<1x128x64xf32, #tpu.memory_space<vmem>> -> memref<128x64xf32, #tpu.memory_space<vmem>>
          %dma_start3A_279 = arith.constant 0 : i32
          %dma_start3A_280 = tpu.memref_slice %arg5[%add3A_273, %dma_start3A_279] : memref<200x128xi32, #tpu.memory_space<vmem>> -> memref<1x128xi32, #tpu.memory_space<vmem>>
          %dma_start3A_281 = tpu.memref_squeeze %dma_start3A_280 : memref<1x128xi32, #tpu.memory_space<vmem>> -> memref<128xi32, #tpu.memory_space<vmem>>
          %dma_start3A_282 = arith.constant 0 : i32
          %dma_start3A_283 = arith.constant 0 : i32
          %dma_start3A_284 = tpu.memref_slice %arg2[%dma_start3A_282, %dma_start3A_283] : memref<1015808x64xf32, #tpu.memory_space<hbm>> -> memref<1015808x64xf32, #tpu.memory_space<hbm>>
          tpu.enqueue_indirect_dma source(%dma_start3A_284 : memref<1015808x64xf32, #tpu.memory_space<hbm>>) target(%dma_start3A_278 : memref<128x64xf32, #tpu.memory_space<vmem>>) offsets(%dma_start3A_281 : memref<128xi32, #tpu.memory_space<vmem>>) semaphore(%arg7 : memref<!tpu.dma_semaphore, #tpu.memory_space<semaphore_mem>>)
          %mul3A_285 = arith.constant 4 : i32
          %mul3A_286 = arith.muli %add3A_269, %mul3A_285 : i32
          %add3A_287 = arith.constant 1 : i32
          %add3A_288 = arith.addi %mul3A_286, %add3A_287 : i32
          %dma_start3A_289 = arith.constant 0 : i32
          %dma_start3A_290 = arith.constant 128 : i32
          %dma_start3A_291 = arith.constant 0 : i32
          %dma_start3A_292 = tpu.memref_slice %arg6[%dma_start3A_289, %dma_start3A_290, %dma_start3A_291] : memref<3x512x64xf32, #tpu.memory_space<vmem>> -> memref<1x128x64xf32, #tpu.memory_space<vmem>>
          %dma_start3A_293 = tpu.memref_squeeze %dma_start3A_292 : memref<1x128x64xf32, #tpu.memory_space<vmem>> -> memref<128x64xf32, #tpu.memory_space<vmem>>
          %dma_start3A_294 = arith.constant 0 : i32
          %dma_start3A_295 = tpu.memref_slice %arg5[%add3A_288, %dma_start3A_294] : memref<200x128xi32, #tpu.memory_space<vmem>> -> memref<1x128xi32, #tpu.memory_space<vmem>>
          %dma_start3A_296 = tpu.memref_squeeze %dma_start3A_295 : memref<1x128xi32, #tpu.memory_space<vmem>> -> memref<128xi32, #tpu.memory_space<vmem>>
          %dma_start3A_297 = arith.constant 0 : i32
          %dma_start3A_298 = arith.constant 0 : i32
          %dma_start3A_299 = tpu.memref_slice %arg2[%dma_start3A_297, %dma_start3A_298] : memref<1015808x64xf32, #tpu.memory_space<hbm>> -> memref<1015808x64xf32, #tpu.memory_space<hbm>>
          tpu.enqueue_indirect_dma source(%dma_start3A_299 : memref<1015808x64xf32, #tpu.memory_space<hbm>>) target(%dma_start3A_293 : memref<128x64xf32, #tpu.memory_space<vmem>>) offsets(%dma_start3A_296 : memref<128xi32, #tpu.memory_space<vmem>>) semaphore(%arg7 : memref<!tpu.dma_semaphore, #tpu.memory_space<semaphore_mem>>)
          %mul3A_300 = arith.constant 4 : i32
          %mul3A_301 = arith.muli %add3A_269, %mul3A_300 : i32
          %add3A_302 = arith.constant 2 : i32
          %add3A_303 = arith.addi %mul3A_301, %add3A_302 : i32
          %dma_start3A_304 = arith.constant 0 : i32
          %dma_start3A_305 = arith.constant 256 : i32
          %dma_start3A_306 = arith.constant 0 : i32
          %dma_start3A_307 = tpu.memref_slice %arg6[%dma_start3A_304, %dma_start3A_305, %dma_start3A_306] : memref<3x512x64xf32, #tpu.memory_space<vmem>> -> memref<1x128x64xf32, #tpu.memory_space<vmem>>
          %dma_start3A_308 = tpu.memref_squeeze %dma_start3A_307 : memref<1x128x64xf32, #tpu.memory_space<vmem>> -> memref<128x64xf32, #tpu.memory_space<vmem>>
          %dma_start3A_309 = arith.constant 0 : i32
          %dma_start3A_310 = tpu.memref_slice %arg5[%add3A_303, %dma_start3A_309] : memref<200x128xi32, #tpu.memory_space<vmem>> -> memref<1x128xi32, #tpu.memory_space<vmem>>
          %dma_start3A_311 = tpu.memref_squeeze %dma_start3A_310 : memref<1x128xi32, #tpu.memory_space<vmem>> -> memref<128xi32, #tpu.memory_space<vmem>>
          %dma_start3A_312 = arith.constant 0 : i32
          %dma_start3A_313 = arith.constant 0 : i32
          %dma_start3A_314 = tpu.memref_slice %arg2[%dma_start3A_312, %dma_start3A_313] : memref<1015808x64xf32, #tpu.memory_space<hbm>> -> memref<1015808x64xf32, #tpu.memory_space<hbm>>
          tpu.enqueue_indirect_dma source(%dma_start3A_314 : memref<1015808x64xf32, #tpu.memory_space<hbm>>) target(%dma_start3A_308 : memref<128x64xf32, #tpu.memory_space<vmem>>) offsets(%dma_start3A_311 : memref<128xi32, #tpu.memory_space<vmem>>) semaphore(%arg7 : memref<!tpu.dma_semaphore, #tpu.memory_space<semaphore_mem>>)
          %mul3A_315 = arith.constant 4 : i32
          %mul3A_316 = arith.muli %add3A_269, %mul3A_315 : i32
          %add3A_317 = arith.constant 3 : i32
          %add3A_318 = arith.addi %mul3A_316, %add3A_317 : i32
          %dma_start3A_319 = arith.constant 0 : i32
          %dma_start3A_320 = arith.constant 384 : i32
          %dma_start3A_321 = arith.constant 0 : i32
          %dma_start3A_322 = tpu.memref_slice %arg6[%dma_start3A_319, %dma_start3A_320, %dma_start3A_321] : memref<3x512x64xf32, #tpu.memory_space<vmem>> -> memref<1x128x64xf32, #tpu.memory_space<vmem>>
          %dma_start3A_323 = tpu.memref_squeeze %dma_start3A_322 : memref<1x128x64xf32, #tpu.memory_space<vmem>> -> memref<128x64xf32, #tpu.memory_space<vmem>>
          %dma_start3A_324 = arith.constant 0 : i32
          %dma_start3A_325 = tpu.memref_slice %arg5[%add3A_318, %dma_start3A_324] : memref<200x128xi32, #tpu.memory_space<vmem>> -> memref<1x128xi32, #tpu.memory_space<vmem>>
          %dma_start3A_326 = tpu.memref_squeeze %dma_start3A_325 : memref<1x128xi32, #tpu.memory_space<vmem>> -> memref<128xi32, #tpu.memory_space<vmem>>
          %dma_start3A_327 = arith.constant 0 : i32
          %dma_start3A_328 = arith.constant 0 : i32
          %dma_start3A_329 = tpu.memref_slice %arg2[%dma_start3A_327, %dma_start3A_328] : memref<1015808x64xf32, #tpu.memory_space<hbm>> -> memref<1015808x64xf32, #tpu.memory_space<hbm>>
          tpu.enqueue_indirect_dma source(%dma_start3A_329 : memref<1015808x64xf32, #tpu.memory_space<hbm>>) target(%dma_start3A_323 : memref<128x64xf32, #tpu.memory_space<vmem>>) offsets(%dma_start3A_326 : memref<128xi32, #tpu.memory_space<vmem>>) semaphore(%arg7 : memref<!tpu.dma_semaphore, #tpu.memory_space<semaphore_mem>>)
        } else {
        }
      } else {
      }
      %mul3A_167 = arith.constant 3 : i32
      %mul3A_168 = arith.muli %scan3A_150, %mul3A_167 : i32
      %add3A_169 = arith.constant 2 : i32
      %add3A_170 = arith.addi %mul3A_168, %add3A_169 : i32
      %lt3A_171 = arith.constant 50 : i32
      %lt3A_172 = arith.cmpi slt, %add3A_170, %lt3A_171 : i32
      %convert_element_type3A_173 = arith.extui %lt3A_172 : i1 to i32
      %cond3A_174 = arith.constant 0 : i32
      %cond3A_175 = arith.cmpi ne, %convert_element_type3A_173, %cond3A_174 : i32
      scf.if %cond3A_175 {
        %mul3A_177 = arith.constant 4 : i32
        %mul3A_178 = arith.muli %add3A_170, %mul3A_177 : i32
        %add3A_179 = arith.constant 0 : i32
        %add3A_180 = arith.addi %mul3A_178, %add3A_179 : i32
        %dma_wait3A_181 = arith.constant 2 : i32
        %dma_wait3A_182 = arith.constant 0 : i32
        %dma_wait3A_183 = arith.constant 0 : i32
        %dma_wait3A_184 = tpu.memref_slice %arg6[%dma_wait3A_181, %dma_wait3A_182, %dma_wait3A_183] : memref<3x512x64xf32, #tpu.memory_space<vmem>> -> memref<1x128x64xf32, #tpu.memory_space<vmem>>
        %dma_wait3A_185 = tpu.memref_squeeze %dma_wait3A_184 : memref<1x128x64xf32, #tpu.memory_space<vmem>> -> memref<128x64xf32, #tpu.memory_space<vmem>>
        %dma_wait3A_186 = arith.constant 0 : i32
        %dma_wait3A_187 = tpu.memref_slice %arg5[%add3A_180, %dma_wait3A_186] : memref<200x128xi32, #tpu.memory_space<vmem>> -> memref<1x128xi32, #tpu.memory_space<vmem>>
        %dma_wait3A_188 = tpu.memref_squeeze %dma_wait3A_187 : memref<1x128xi32, #tpu.memory_space<vmem>> -> memref<128xi32, #tpu.memory_space<vmem>>
        %dma_wait3A_189 = arith.constant 0 : i32
        %dma_wait3A_190 = arith.constant 0 : i32
        %dma_wait3A_191 = tpu.memref_slice %arg2[%dma_wait3A_189, %dma_wait3A_190] : memref<1015808x64xf32, #tpu.memory_space<hbm>> -> memref<1015808x64xf32, #tpu.memory_space<hbm>>
        tpu.wait_indirect_dma semaphore(%arg9 : memref<!tpu.dma_semaphore, #tpu.memory_space<semaphore_mem>>) src(%dma_wait3A_191 : memref<1015808x64xf32, #tpu.memory_space<hbm>>) dst(%dma_wait3A_185 : memref<128x64xf32, #tpu.memory_space<vmem>>)
        %mul3A_192 = arith.constant 4 : i32
        %mul3A_193 = arith.muli %add3A_170, %mul3A_192 : i32
        %add3A_194 = arith.constant 1 : i32
        %add3A_195 = arith.addi %mul3A_193, %add3A_194 : i32
        %dma_wait3A_196 = arith.constant 2 : i32
        %dma_wait3A_197 = arith.constant 128 : i32
        %dma_wait3A_198 = arith.constant 0 : i32
        %dma_wait3A_199 = tpu.memref_slice %arg6[%dma_wait3A_196, %dma_wait3A_197, %dma_wait3A_198] : memref<3x512x64xf32, #tpu.memory_space<vmem>> -> memref<1x128x64xf32, #tpu.memory_space<vmem>>
        %dma_wait3A_200 = tpu.memref_squeeze %dma_wait3A_199 : memref<1x128x64xf32, #tpu.memory_space<vmem>> -> memref<128x64xf32, #tpu.memory_space<vmem>>
        %dma_wait3A_201 = arith.constant 0 : i32
        %dma_wait3A_202 = tpu.memref_slice %arg5[%add3A_195, %dma_wait3A_201] : memref<200x128xi32, #tpu.memory_space<vmem>> -> memref<1x128xi32, #tpu.memory_space<vmem>>
        %dma_wait3A_203 = tpu.memref_squeeze %dma_wait3A_202 : memref<1x128xi32, #tpu.memory_space<vmem>> -> memref<128xi32, #tpu.memory_space<vmem>>
        %dma_wait3A_204 = arith.constant 0 : i32
        %dma_wait3A_205 = arith.constant 0 : i32
        %dma_wait3A_206 = tpu.memref_slice %arg2[%dma_wait3A_204, %dma_wait3A_205] : memref<1015808x64xf32, #tpu.memory_space<hbm>> -> memref<1015808x64xf32, #tpu.memory_space<hbm>>
        tpu.wait_indirect_dma semaphore(%arg9 : memref<!tpu.dma_semaphore, #tpu.memory_space<semaphore_mem>>) src(%dma_wait3A_206 : memref<1015808x64xf32, #tpu.memory_space<hbm>>) dst(%dma_wait3A_200 : memref<128x64xf32, #tpu.memory_space<vmem>>)
        %mul3A_207 = arith.constant 4 : i32
        %mul3A_208 = arith.muli %add3A_170, %mul3A_207 : i32
        %add3A_209 = arith.constant 2 : i32
        %add3A_210 = arith.addi %mul3A_208, %add3A_209 : i32
        %dma_wait3A_211 = arith.constant 2 : i32
        %dma_wait3A_212 = arith.constant 256 : i32
        %dma_wait3A_213 = arith.constant 0 : i32
        %dma_wait3A_214 = tpu.memref_slice %arg6[%dma_wait3A_211, %dma_wait3A_212, %dma_wait3A_213] : memref<3x512x64xf32, #tpu.memory_space<vmem>> -> memref<1x128x64xf32, #tpu.memory_space<vmem>>
        %dma_wait3A_215 = tpu.memref_squeeze %dma_wait3A_214 : memref<1x128x64xf32, #tpu.memory_space<vmem>> -> memref<128x64xf32, #tpu.memory_space<vmem>>
        %dma_wait3A_216 = arith.constant 0 : i32
        %dma_wait3A_217 = tpu.memref_slice %arg5[%add3A_210, %dma_wait3A_216] : memref<200x128xi32, #tpu.memory_space<vmem>> -> memref<1x128xi32, #tpu.memory_space<vmem>>
        %dma_wait3A_218 = tpu.memref_squeeze %dma_wait3A_217 : memref<1x128xi32, #tpu.memory_space<vmem>> -> memref<128xi32, #tpu.memory_space<vmem>>
        %dma_wait3A_219 = arith.constant 0 : i32
        %dma_wait3A_220 = arith.constant 0 : i32
        %dma_wait3A_221 = tpu.memref_slice %arg2[%dma_wait3A_219, %dma_wait3A_220] : memref<1015808x64xf32, #tpu.memory_space<hbm>> -> memref<1015808x64xf32, #tpu.memory_space<hbm>>
        tpu.wait_indirect_dma semaphore(%arg9 : memref<!tpu.dma_semaphore, #tpu.memory_space<semaphore_mem>>) src(%dma_wait3A_221 : memref<1015808x64xf32, #tpu.memory_space<hbm>>) dst(%dma_wait3A_215 : memref<128x64xf32, #tpu.memory_space<vmem>>)
        %mul3A_222 = arith.constant 4 : i32
        %mul3A_223 = arith.muli %add3A_170, %mul3A_222 : i32
        %add3A_224 = arith.constant 3 : i32
        %add3A_225 = arith.addi %mul3A_223, %add3A_224 : i32
        %dma_wait3A_226 = arith.constant 2 : i32
        %dma_wait3A_227 = arith.constant 384 : i32
        %dma_wait3A_228 = arith.constant 0 : i32
        %dma_wait3A_229 = tpu.memref_slice %arg6[%dma_wait3A_226, %dma_wait3A_227, %dma_wait3A_228] : memref<3x512x64xf32, #tpu.memory_space<vmem>> -> memref<1x128x64xf32, #tpu.memory_space<vmem>>
        %dma_wait3A_230 = tpu.memref_squeeze %dma_wait3A_229 : memref<1x128x64xf32, #tpu.memory_space<vmem>> -> memref<128x64xf32, #tpu.memory_space<vmem>>
        %dma_wait3A_231 = arith.constant 0 : i32
        %dma_wait3A_232 = tpu.memref_slice %arg5[%add3A_225, %dma_wait3A_231] : memref<200x128xi32, #tpu.memory_space<vmem>> -> memref<1x128xi32, #tpu.memory_space<vmem>>
        %dma_wait3A_233 = tpu.memref_squeeze %dma_wait3A_232 : memref<1x128xi32, #tpu.memory_space<vmem>> -> memref<128xi32, #tpu.memory_space<vmem>>
        %dma_wait3A_234 = arith.constant 0 : i32
        %dma_wait3A_235 = arith.constant 0 : i32
        %dma_wait3A_236 = tpu.memref_slice %arg2[%dma_wait3A_234, %dma_wait3A_235] : memref<1015808x64xf32, #tpu.memory_space<hbm>> -> memref<1015808x64xf32, #tpu.memory_space<hbm>>
        tpu.wait_indirect_dma semaphore(%arg9 : memref<!tpu.dma_semaphore, #tpu.memory_space<semaphore_mem>>) src(%dma_wait3A_236 : memref<1015808x64xf32, #tpu.memory_space<hbm>>) dst(%dma_wait3A_230 : memref<128x64xf32, #tpu.memory_space<vmem>>)
        %mul3A_237 = arith.constant 512 : i32
        %mul3A_238 = arith.muli %add3A_170, %mul3A_237 : i32
        %add3A_239 = arith.addi %mul3A_2, %mul3A_238 : i32
        %dma_start3A_240 = arith.constant 2 : i32
        %dma_start3A_241 = arith.constant 0 : i32
        %dma_start3A_242 = arith.constant 0 : i32
        %dma_start3A_243 = tpu.memref_slice %arg6[%dma_start3A_240, %dma_start3A_241, %dma_start3A_242] : memref<3x512x64xf32, #tpu.memory_space<vmem>> -> memref<1x512x64xf32, #tpu.memory_space<vmem>>
        %dma_start3A_244 = tpu.memref_squeeze %dma_start3A_243 : memref<1x512x64xf32, #tpu.memory_space<vmem>> -> memref<512x64xf32, #tpu.memory_space<vmem>>
        %dma_start3A_245 = arith.constant 0 : i32
        %dma_start3A_246 = tpu.memref_slice %arg4[%add3A_239, %dma_start3A_245] : memref<819200x128xf32, #tpu.memory_space<hbm>> -> memref<512x64xf32, #tpu.memory_space<hbm>>
        %dma_start3A_247 = arith.constant 0 : i32
        %dma_start3A_248 = tpu.memref_slice %arg4[%add3A_239, %dma_start3A_247] : memref<819200x128xf32, #tpu.memory_space<hbm>> -> memref<512x64xf32, #tpu.memory_space<hbm>>
        %dma_start3A_249 = arith.constant 0 : i32
        %dma_start3A_250 = arith.constant 0 : i32
        %dma_start3A_251 = tpu.memref_slice %arg6[%dma_start3A_240, %dma_start3A_249, %dma_start3A_250] : memref<3x512x64xf32, #tpu.memory_space<vmem>> -> memref<1x512x64xf32, #tpu.memory_space<vmem>>
        %dma_start3A_252 = tpu.memref_squeeze %dma_start3A_251 : memref<1x512x64xf32, #tpu.memory_space<vmem>> -> memref<512x64xf32, #tpu.memory_space<vmem>>
        tpu.enqueue_dma source(%dma_start3A_252 : memref<512x64xf32, #tpu.memory_space<vmem>>) target(%dma_start3A_248 : memref<512x64xf32, #tpu.memory_space<hbm>>) target_semaphore(%arg12 : memref<!tpu.dma_semaphore, #tpu.memory_space<semaphore_mem>>)
        %ge3A = arith.constant 1 : i32
        %ge3A_253 = arith.cmpi sge, %add3A_170, %ge3A : i32
        %add3A_254 = arith.constant 2 : i32
        %add3A_255 = arith.addi %add3A_170, %add3A_254 : i32
        %lt3A_256 = arith.constant 50 : i32
        %lt3A_257 = arith.cmpi slt, %add3A_255, %lt3A_256 : i32
        %and3A = arith.andi %ge3A_253, %lt3A_257 : i1
        %convert_element_type3A_258 = arith.extui %and3A : i1 to i32
        %cond3A_259 = arith.constant 0 : i32
        %cond3A_260 = arith.cmpi ne, %convert_element_type3A_258, %cond3A_259 : i32
        scf.if %cond3A_260 {
          %sub3A = arith.constant 1 : i32
          %sub3A_268 = arith.subi %add3A_170, %sub3A : i32
          %mul3A_269 = arith.constant 512 : i32
          %mul3A_270 = arith.muli %sub3A_268, %mul3A_269 : i32
          %add3A_271 = arith.addi %mul3A_2, %mul3A_270 : i32
          %dma_wait3A_272 = arith.constant 1 : i32
          %dma_wait3A_273 = arith.constant 0 : i32
          %dma_wait3A_274 = arith.constant 0 : i32
          %dma_wait3A_275 = tpu.memref_slice %arg6[%dma_wait3A_272, %dma_wait3A_273, %dma_wait3A_274] : memref<3x512x64xf32, #tpu.memory_space<vmem>> -> memref<1x512x64xf32, #tpu.memory_space<vmem>>
          %dma_wait3A_276 = tpu.memref_squeeze %dma_wait3A_275 : memref<1x512x64xf32, #tpu.memory_space<vmem>> -> memref<512x64xf32, #tpu.memory_space<vmem>>
          %dma_wait3A_277 = arith.constant 0 : i32
          %dma_wait3A_278 = tpu.memref_slice %arg4[%add3A_271, %dma_wait3A_277] : memref<819200x128xf32, #tpu.memory_space<hbm>> -> memref<512x64xf32, #tpu.memory_space<hbm>>
          %dma_wait3A_279 = arith.constant 0 : i32
          %dma_wait3A_280 = tpu.memref_slice %arg4[%add3A_271, %dma_wait3A_279] : memref<819200x128xf32, #tpu.memory_space<hbm>> -> memref<512x64xf32, #tpu.memory_space<hbm>>
          %dma_wait3A_281 = arith.constant 0 : i32
          %dma_wait3A_282 = arith.constant 0 : i32
          %dma_wait3A_283 = tpu.memref_slice %arg6[%dma_wait3A_272, %dma_wait3A_281, %dma_wait3A_282] : memref<3x512x64xf32, #tpu.memory_space<vmem>> -> memref<1x512x64xf32, #tpu.memory_space<vmem>>
          %dma_wait3A_284 = tpu.memref_squeeze %dma_wait3A_283 : memref<1x512x64xf32, #tpu.memory_space<vmem>> -> memref<512x64xf32, #tpu.memory_space<vmem>>
          tpu.wait_dma2 semaphore(%arg11 : memref<!tpu.dma_semaphore, #tpu.memory_space<semaphore_mem>>) src(%dma_wait3A_284 : memref<512x64xf32, #tpu.memory_space<vmem>>) dst(%dma_wait3A_280 : memref<512x64xf32, #tpu.memory_space<hbm>>)
        } else {
        }
        %add3A_261 = arith.constant 2 : i32
        %add3A_262 = arith.addi %add3A_170, %add3A_261 : i32
        %lt3A_263 = arith.constant 50 : i32
        %lt3A_264 = arith.cmpi slt, %add3A_262, %lt3A_263 : i32
        %convert_element_type3A_265 = arith.extui %lt3A_264 : i1 to i32
        %cond3A_266 = arith.constant 0 : i32
        %cond3A_267 = arith.cmpi ne, %convert_element_type3A_265, %cond3A_266 : i32
        scf.if %cond3A_267 {
          %add3A_268 = arith.constant 2 : i32
          %add3A_269 = arith.addi %add3A_170, %add3A_268 : i32
          %mul3A_270 = arith.constant 4 : i32
          %mul3A_271 = arith.muli %add3A_269, %mul3A_270 : i32
          %add3A_272 = arith.constant 0 : i32
          %add3A_273 = arith.addi %mul3A_271, %add3A_272 : i32
          %dma_start3A_274 = arith.constant 1 : i32
          %dma_start3A_275 = arith.constant 0 : i32
          %dma_start3A_276 = arith.constant 0 : i32
          %dma_start3A_277 = tpu.memref_slice %arg6[%dma_start3A_274, %dma_start3A_275, %dma_start3A_276] : memref<3x512x64xf32, #tpu.memory_space<vmem>> -> memref<1x128x64xf32, #tpu.memory_space<vmem>>
          %dma_start3A_278 = tpu.memref_squeeze %dma_start3A_277 : memref<1x128x64xf32, #tpu.memory_space<vmem>> -> memref<128x64xf32, #tpu.memory_space<vmem>>
          %dma_start3A_279 = arith.constant 0 : i32
          %dma_start3A_280 = tpu.memref_slice %arg5[%add3A_273, %dma_start3A_279] : memref<200x128xi32, #tpu.memory_space<vmem>> -> memref<1x128xi32, #tpu.memory_space<vmem>>
          %dma_start3A_281 = tpu.memref_squeeze %dma_start3A_280 : memref<1x128xi32, #tpu.memory_space<vmem>> -> memref<128xi32, #tpu.memory_space<vmem>>
          %dma_start3A_282 = arith.constant 0 : i32
          %dma_start3A_283 = arith.constant 0 : i32
          %dma_start3A_284 = tpu.memref_slice %arg2[%dma_start3A_282, %dma_start3A_283] : memref<1015808x64xf32, #tpu.memory_space<hbm>> -> memref<1015808x64xf32, #tpu.memory_space<hbm>>
          tpu.enqueue_indirect_dma source(%dma_start3A_284 : memref<1015808x64xf32, #tpu.memory_space<hbm>>) target(%dma_start3A_278 : memref<128x64xf32, #tpu.memory_space<vmem>>) offsets(%dma_start3A_281 : memref<128xi32, #tpu.memory_space<vmem>>) semaphore(%arg8 : memref<!tpu.dma_semaphore, #tpu.memory_space<semaphore_mem>>)
          %mul3A_285 = arith.constant 4 : i32
          %mul3A_286 = arith.muli %add3A_269, %mul3A_285 : i32
          %add3A_287 = arith.constant 1 : i32
          %add3A_288 = arith.addi %mul3A_286, %add3A_287 : i32
          %dma_start3A_289 = arith.constant 1 : i32
          %dma_start3A_290 = arith.constant 128 : i32
          %dma_start3A_291 = arith.constant 0 : i32
          %dma_start3A_292 = tpu.memref_slice %arg6[%dma_start3A_289, %dma_start3A_290, %dma_start3A_291] : memref<3x512x64xf32, #tpu.memory_space<vmem>> -> memref<1x128x64xf32, #tpu.memory_space<vmem>>
          %dma_start3A_293 = tpu.memref_squeeze %dma_start3A_292 : memref<1x128x64xf32, #tpu.memory_space<vmem>> -> memref<128x64xf32, #tpu.memory_space<vmem>>
          %dma_start3A_294 = arith.constant 0 : i32
          %dma_start3A_295 = tpu.memref_slice %arg5[%add3A_288, %dma_start3A_294] : memref<200x128xi32, #tpu.memory_space<vmem>> -> memref<1x128xi32, #tpu.memory_space<vmem>>
          %dma_start3A_296 = tpu.memref_squeeze %dma_start3A_295 : memref<1x128xi32, #tpu.memory_space<vmem>> -> memref<128xi32, #tpu.memory_space<vmem>>
          %dma_start3A_297 = arith.constant 0 : i32
          %dma_start3A_298 = arith.constant 0 : i32
          %dma_start3A_299 = tpu.memref_slice %arg2[%dma_start3A_297, %dma_start3A_298] : memref<1015808x64xf32, #tpu.memory_space<hbm>> -> memref<1015808x64xf32, #tpu.memory_space<hbm>>
          tpu.enqueue_indirect_dma source(%dma_start3A_299 : memref<1015808x64xf32, #tpu.memory_space<hbm>>) target(%dma_start3A_293 : memref<128x64xf32, #tpu.memory_space<vmem>>) offsets(%dma_start3A_296 : memref<128xi32, #tpu.memory_space<vmem>>) semaphore(%arg8 : memref<!tpu.dma_semaphore, #tpu.memory_space<semaphore_mem>>)
          %mul3A_300 = arith.constant 4 : i32
          %mul3A_301 = arith.muli %add3A_269, %mul3A_300 : i32
          %add3A_302 = arith.constant 2 : i32
          %add3A_303 = arith.addi %mul3A_301, %add3A_302 : i32
          %dma_start3A_304 = arith.constant 1 : i32
          %dma_start3A_305 = arith.constant 256 : i32
          %dma_start3A_306 = arith.constant 0 : i32
          %dma_start3A_307 = tpu.memref_slice %arg6[%dma_start3A_304, %dma_start3A_305, %dma_start3A_306] : memref<3x512x64xf32, #tpu.memory_space<vmem>> -> memref<1x128x64xf32, #tpu.memory_space<vmem>>
          %dma_start3A_308 = tpu.memref_squeeze %dma_start3A_307 : memref<1x128x64xf32, #tpu.memory_space<vmem>> -> memref<128x64xf32, #tpu.memory_space<vmem>>
          %dma_start3A_309 = arith.constant 0 : i32
          %dma_start3A_310 = tpu.memref_slice %arg5[%add3A_303, %dma_start3A_309] : memref<200x128xi32, #tpu.memory_space<vmem>> -> memref<1x128xi32, #tpu.memory_space<vmem>>
          %dma_start3A_311 = tpu.memref_squeeze %dma_start3A_310 : memref<1x128xi32, #tpu.memory_space<vmem>> -> memref<128xi32, #tpu.memory_space<vmem>>
          %dma_start3A_312 = arith.constant 0 : i32
          %dma_start3A_313 = arith.constant 0 : i32
          %dma_start3A_314 = tpu.memref_slice %arg2[%dma_start3A_312, %dma_start3A_313] : memref<1015808x64xf32, #tpu.memory_space<hbm>> -> memref<1015808x64xf32, #tpu.memory_space<hbm>>
          tpu.enqueue_indirect_dma source(%dma_start3A_314 : memref<1015808x64xf32, #tpu.memory_space<hbm>>) target(%dma_start3A_308 : memref<128x64xf32, #tpu.memory_space<vmem>>) offsets(%dma_start3A_311 : memref<128xi32, #tpu.memory_space<vmem>>) semaphore(%arg8 : memref<!tpu.dma_semaphore, #tpu.memory_space<semaphore_mem>>)
          %mul3A_315 = arith.constant 4 : i32
          %mul3A_316 = arith.muli %add3A_269, %mul3A_315 : i32
          %add3A_317 = arith.constant 3 : i32
          %add3A_318 = arith.addi %mul3A_316, %add3A_317 : i32
          %dma_start3A_319 = arith.constant 1 : i32
          %dma_start3A_320 = arith.constant 384 : i32
          %dma_start3A_321 = arith.constant 0 : i32
          %dma_start3A_322 = tpu.memref_slice %arg6[%dma_start3A_319, %dma_start3A_320, %dma_start3A_321] : memref<3x512x64xf32, #tpu.memory_space<vmem>> -> memref<1x128x64xf32, #tpu.memory_space<vmem>>
          %dma_start3A_323 = tpu.memref_squeeze %dma_start3A_322 : memref<1x128x64xf32, #tpu.memory_space<vmem>> -> memref<128x64xf32, #tpu.memory_space<vmem>>
          %dma_start3A_324 = arith.constant 0 : i32
          %dma_start3A_325 = tpu.memref_slice %arg5[%add3A_318, %dma_start3A_324] : memref<200x128xi32, #tpu.memory_space<vmem>> -> memref<1x128xi32, #tpu.memory_space<vmem>>
          %dma_start3A_326 = tpu.memref_squeeze %dma_start3A_325 : memref<1x128xi32, #tpu.memory_space<vmem>> -> memref<128xi32, #tpu.memory_space<vmem>>
          %dma_start3A_327 = arith.constant 0 : i32
          %dma_start3A_328 = arith.constant 0 : i32
          %dma_start3A_329 = tpu.memref_slice %arg2[%dma_start3A_327, %dma_start3A_328] : memref<1015808x64xf32, #tpu.memory_space<hbm>> -> memref<1015808x64xf32, #tpu.memory_space<hbm>>
          tpu.enqueue_indirect_dma source(%dma_start3A_329 : memref<1015808x64xf32, #tpu.memory_space<hbm>>) target(%dma_start3A_323 : memref<128x64xf32, #tpu.memory_space<vmem>>) offsets(%dma_start3A_326 : memref<128xi32, #tpu.memory_space<vmem>>) semaphore(%arg8 : memref<!tpu.dma_semaphore, #tpu.memory_space<semaphore_mem>>)
        } else {
        }
      } else {
      }
      %scan3A_176 = arith.constant 0 : i32
      scf.yield %scan3A_176 : i32
    }
    %scan3A_105 = arith.constant 17 : i32
    %add3A_106 = arith.constant 24064 : i32
    %add3A_107 = arith.addi %mul3A_2, %add3A_106 : i32
    %dma_wait3A = arith.constant 2 : i32
    %dma_wait3A_108 = arith.constant 0 : i32
    %dma_wait3A_109 = arith.constant 0 : i32
    %dma_wait3A_110 = tpu.memref_slice %arg6[%dma_wait3A, %dma_wait3A_108, %dma_wait3A_109] : memref<3x512x64xf32, #tpu.memory_space<vmem>> -> memref<1x512x64xf32, #tpu.memory_space<vmem>>
    %dma_wait3A_111 = tpu.memref_squeeze %dma_wait3A_110 : memref<1x512x64xf32, #tpu.memory_space<vmem>> -> memref<512x64xf32, #tpu.memory_space<vmem>>
    %dma_wait3A_112 = arith.constant 0 : i32
    %dma_wait3A_113 = tpu.memref_slice %arg4[%add3A_107, %dma_wait3A_112] : memref<819200x128xf32, #tpu.memory_space<hbm>> -> memref<512x64xf32, #tpu.memory_space<hbm>>
    %dma_wait3A_114 = arith.constant 0 : i32
    %dma_wait3A_115 = tpu.memref_slice %arg4[%add3A_107, %dma_wait3A_114] : memref<819200x128xf32, #tpu.memory_space<hbm>> -> memref<512x64xf32, #tpu.memory_space<hbm>>
    %dma_wait3A_116 = arith.constant 0 : i32
    %dma_wait3A_117 = arith.constant 0 : i32
    %dma_wait3A_118 = tpu.memref_slice %arg6[%dma_wait3A, %dma_wait3A_116, %dma_wait3A_117] : memref<3x512x64xf32, #tpu.memory_space<vmem>> -> memref<1x512x64xf32, #tpu.memory_space<vmem>>
    %dma_wait3A_119 = tpu.memref_squeeze %dma_wait3A_118 : memref<1x512x64xf32, #tpu.memory_space<vmem>> -> memref<512x64xf32, #tpu.memory_space<vmem>>
    tpu.wait_dma2 semaphore(%arg12 : memref<!tpu.dma_semaphore, #tpu.memory_space<semaphore_mem>>) src(%dma_wait3A_119 : memref<512x64xf32, #tpu.memory_space<vmem>>) dst(%dma_wait3A_115 : memref<512x64xf32, #tpu.memory_space<hbm>>)
    %add3A_120 = arith.constant 24576 : i32
    %add3A_121 = arith.addi %mul3A_2, %add3A_120 : i32
    %dma_wait3A_122 = arith.constant 0 : i32
    %dma_wait3A_123 = arith.constant 0 : i32
    %dma_wait3A_124 = arith.constant 0 : i32
    %dma_wait3A_125 = tpu.memref_slice %arg6[%dma_wait3A_122, %dma_wait3A_123, %dma_wait3A_124] : memref<3x512x64xf32, #tpu.memory_space<vmem>> -> memref<1x512x64xf32, #tpu.memory_space<vmem>>
    %dma_wait3A_126 = tpu.memref_squeeze %dma_wait3A_125 : memref<1x512x64xf32, #tpu.memory_space<vmem>> -> memref<512x64xf32, #tpu.memory_space<vmem>>
    %dma_wait3A_127 = arith.constant 0 : i32
    %dma_wait3A_128 = tpu.memref_slice %arg4[%add3A_121, %dma_wait3A_127] : memref<819200x128xf32, #tpu.memory_space<hbm>> -> memref<512x64xf32, #tpu.memory_space<hbm>>
    %dma_wait3A_129 = arith.constant 0 : i32
    %dma_wait3A_130 = tpu.memref_slice %arg4[%add3A_121, %dma_wait3A_129] : memref<819200x128xf32, #tpu.memory_space<hbm>> -> memref<512x64xf32, #tpu.memory_space<hbm>>
    %dma_wait3A_131 = arith.constant 0 : i32
    %dma_wait3A_132 = arith.constant 0 : i32
    %dma_wait3A_133 = tpu.memref_slice %arg6[%dma_wait3A_122, %dma_wait3A_131, %dma_wait3A_132] : memref<3x512x64xf32, #tpu.memory_space<vmem>> -> memref<1x512x64xf32, #tpu.memory_space<vmem>>
    %dma_wait3A_134 = tpu.memref_squeeze %dma_wait3A_133 : memref<1x512x64xf32, #tpu.memory_space<vmem>> -> memref<512x64xf32, #tpu.memory_space<vmem>>
    tpu.wait_dma2 semaphore(%arg10 : memref<!tpu.dma_semaphore, #tpu.memory_space<semaphore_mem>>) src(%dma_wait3A_134 : memref<512x64xf32, #tpu.memory_space<vmem>>) dst(%dma_wait3A_130 : memref<512x64xf32, #tpu.memory_space<hbm>>)
    %add3A_135 = arith.constant 25088 : i32
    %add3A_136 = arith.addi %mul3A_2, %add3A_135 : i32
    %dma_wait3A_137 = arith.constant 1 : i32
    %dma_wait3A_138 = arith.constant 0 : i32
    %dma_wait3A_139 = arith.constant 0 : i32
    %dma_wait3A_140 = tpu.memref_slice %arg6[%dma_wait3A_137, %dma_wait3A_138, %dma_wait3A_139] : memref<3x512x64xf32, #tpu.memory_space<vmem>> -> memref<1x512x64xf32, #tpu.memory_space<vmem>>
    %dma_wait3A_141 = tpu.memref_squeeze %dma_wait3A_140 : memref<1x512x64xf32, #tpu.memory_space<vmem>> -> memref<512x64xf32, #tpu.memory_space<vmem>>
    %dma_wait3A_142 = arith.constant 0 : i32
    %dma_wait3A_143 = tpu.memref_slice %arg4[%add3A_136, %dma_wait3A_142] : memref<819200x128xf32, #tpu.memory_space<hbm>> -> memref<512x64xf32, #tpu.memory_space<hbm>>
    %dma_wait3A_144 = arith.constant 0 : i32
    %dma_wait3A_145 = tpu.memref_slice %arg4[%add3A_136, %dma_wait3A_144] : memref<819200x128xf32, #tpu.memory_space<hbm>> -> memref<512x64xf32, #tpu.memory_space<hbm>>
    %dma_wait3A_146 = arith.constant 0 : i32
    %dma_wait3A_147 = arith.constant 0 : i32
    %dma_wait3A_148 = tpu.memref_slice %arg6[%dma_wait3A_137, %dma_wait3A_146, %dma_wait3A_147] : memref<3x512x64xf32, #tpu.memory_space<vmem>> -> memref<1x512x64xf32, #tpu.memory_space<vmem>>
    %dma_wait3A_149 = tpu.memref_squeeze %dma_wait3A_148 : memref<1x512x64xf32, #tpu.memory_space<vmem>> -> memref<512x64xf32, #tpu.memory_space<vmem>>
    tpu.wait_dma2 semaphore(%arg11 : memref<!tpu.dma_semaphore, #tpu.memory_space<semaphore_mem>>) src(%dma_wait3A_149 : memref<512x64xf32, #tpu.memory_space<vmem>>) dst(%dma_wait3A_145 : memref<512x64xf32, #tpu.memory_space<hbm>>)
    return
  }
}

module attributes {stable_mosaic.version = 14 : i64} {
  func.func @_untile_body(%arg0: i32, %arg1: memref<64x32768xf32, #tpu.memory_space<vmem>>, %arg2: memref<16384x128xf32, #tpu.memory_space<vmem>>) attributes {dimension_semantics = [#tpu.dimension_semantics<arbitrary>], iteration_bounds = array<i64: 31>, scalar_prefetch = 0 : i64, scratch_operands = 0 : i64, tpu.core_type = #tpu.core_type<tc>, window_params = [{transform_indices = @transform_0, window_bounds = array<i64: 64, 32768>}, {transform_indices = @transform_1, window_bounds = array<i64: 16384, 128>}]} {
    %get3A = arith.constant 0 : index
    %get3A_0 = arith.constant 0 : index
    %get3A_1 = vector.load %arg1[%get3A, %get3A_0] : memref<64x32768xf32, #tpu.memory_space<vmem>>, vector<64x32768xf32>
    %slice3A = vector.extract_strided_slice %get3A_1 {offsets = [0, 0], sizes = [64, 16384], strides = [1, 1]} : vector<64x32768xf32> to vector<64x16384xf32>
    %slice3A_2 = vector.extract_strided_slice %get3A_1 {offsets = [0, 16384], sizes = [64, 16384], strides = [1, 1]} : vector<64x32768xf32> to vector<64x16384xf32>
    %concatenate3A = tpu.concatenate %slice3A, %slice3A_2 in 0 : vector<64x16384xf32>, vector<64x16384xf32> -> vector<128x16384xf32>
    %transpose3A = tpu.transpose %concatenate3A, [1, 0] : vector<128x16384xf32> -> vector<16384x128xf32>
    %mul3A = arith.constant 8.000000e+00 : f32
    %mul3A_3 = vector.broadcast %mul3A : f32 to vector<16384x128xf32>
    %mul3A_4 = arith.mulf %transpose3A, %mul3A_3 : vector<16384x128xf32>
    %swap3A = arith.constant 0 : index
    %swap3A_5 = arith.constant 0 : index
    %swap3A_6 = vector.load %arg2[%swap3A, %swap3A_5] : memref<16384x128xf32, #tpu.memory_space<vmem>>, vector<16384x128xf32>
    tpu.vector_store %arg2[%swap3A, %swap3A_5], %mul3A_4 {strides = array<i32>} : memref<16384x128xf32, #tpu.memory_space<vmem>>, vector<16384x128xf32>,
    return
  }
  func.func @transform_0(%arg0: i32) -> (i32, i32) {
    %c0_i32 = arith.constant 0 : i32
    %c0_i32_0 = arith.constant 0 : i32
    return %c0_i32, %arg0 : i32, i32
  }
  func.func @transform_1(%arg0: i32) -> (i32, i32) {
    %c0_i32 = arith.constant 0 : i32
    %c0_i32_0 = arith.constant 0 : i32
    return %arg0, %c0_i32 : i32, i32
  }
}

</mosaic_0001>

<sc_bundles>
// kernel: kernel.4.cloned.1.call-start
scs
__scs_entry_jumppad:
0x0: {  	(pc) =	sbr.rel $0x88, $3  }
0x1: {  	(tag) =	ssettag $0x0;
	lr =	simm.s32 $0x1  }
0x2: {  	[smem:$0x3F9F] =	sst lr;
	_ =	strace $0xD0000000  }
0x3: {  	_ = 	snop  }
0x4: {  	_ = 	snop  }
0x5: {  	_ = 	snop  }
0x6: {  	_ = 	snop  }
0x7: {  	_ = 	snop  }
__scs_overlays_trampoline_lowered:
0x8: {  	[smem:$0x3FAE] =	sst s0  }
0x9: {  	[smem:$0x3FAF] =	sst s1  }
0xa: {  	[smem:$0x3FB0] =	sst s2  }
0xb: {  	[smem:$0x3FB1] =	sst s3  }
0xc: {  	[smem:$0x3FB2] =	sst s4  }
0xd: {  	[smem:$0x3FB3] =	sst s5  }
0xe: {  	[smem:$0x3FB4] =	sst s6  }
0xf: {  	[smem:$0x3FB5] =	sst s7  }
0x10: {  	[smem:$0x3FB6] =	sst s8  }
0x11: {  	[smem:$0x3FB7] =	sst s9;
	s0 =	simm.s32 @!p0 $0x0  }
0x12: {  	s1 =	sld [smem:$0x3F9D];
	s0 =	simm.s32 @p0 $0x1  }
0x13: {  	[smem:$0x3FB8] =	sst s0;
	s0 =	simm.s32 @!p1 $0x0  }
0x14: {  	s2 =	sld [smem:$0x3F9C];
	s0 =	simm.s32 @p1 $0x1  }
0x15: {  	[smem:$0x3FB9] =	sst s0;
	s0 =	simm.s32 @!p2 $0x0  }
0x16: {  	s3 =	sld [smem:$0x3FDB];
	s0 =	simm.s32 @p2 $0x1  }
0x17: {  	s4 =	simm.s32 $0x1BF5;
	[smem:$0x3FBB] =	sst s0  }
0x18: {  	s0 =	sld [smem:$0x3F9E];
	_ =	swait.ge [sflag:s4], $0x0  }
0x19: {  	s7 =	sld [smem:$0x3F9F]  }
0x1a: {  	s8 =	sadd.s32 $0xFFFFE003, lr  }
0x1b: {  	s9 =	sadd.s32 $0xFFFFFEF7, lr;
	s5 =	simm.s32 $0xFFFFFFFF;
	p2 =	slt.u32 s8, $0xFFFFF086  }
0x1c: {  	p1 =	slt.u32 s9, $0xF7A;
	s5 =	simm.s32 @!p2 $0x0  }
0x1d: {  	s5 =	simm.s32 @p1 $0x1;
	p0 =	seq.s32 s7, s2  }
0x1e: {  	s7 =	smul.u32 @!p0 $0xF7A, s2;
	p2 =	seq.s32 @!p0 s5, $0x0  }
0x1f: {  	s9 =	smul.u32 $0xF7A, s1;
	s8 =	simm.s32 @!p0 $0x1BF5;
	p2 =	por !p2, p0  }
0x20: {  	[sflag:s8] =	ssyncset.s32 @!p0 $0xFFFFF086;
	s6 =	sadd.s32 @!p0 s3, s7;
	s7 =	simm.s32 @!p0 $0x108  }
0x21: {  	s3 =	sadd.s32 s3, s9;
	s6 =	sadd.s32 @!p0 $0x88, s6;
	s7 =	simm.s32 @p2 $0x1082  }
0x22: {  	[simem:s7], [sflag:s8] =	dma.local @!p0 [hbm:s6], $0xF7A  }
0x23: {  	s9 =	sor.u32 $0xD0000000, s2;
	s6 =	simm.s32 $0x108;
	_ =	swait.ge @!p0 [sflag:s8], $0x0  }
0x24: {  	s3 =	sadd.s32 $0x88, s3;
	s6 =	simm.s32 @!p1 $0x1082;
	[sflag:s4] =	ssyncset.s32 $0xFFFFF086  }
0x25: {  	[simem:s6], [sflag:s4] =	dma.local [hbm:s3], $0xF7A  }
0x26: {  	[smem:$0x3F9F] =	sst s1;
	(tag) =	ssettag s2;
	_ =	strace s9  }
0x27: {  	s1 =	sld [smem:$0x3FAF]  }
0x28: {  	s2 =	sld [smem:$0x3FB0]  }
0x29: {  	s4 =	sld [smem:$0x3FB2]  }
0x2a: {  	p0 =	seq.s32 s5, $0x0;
	s5 =	sld [smem:$0x3FB3]  }
0x2b: {  	s6 =	sld [smem:$0x3FB4]  }
0x2c: {  	s7 =	sld [smem:$0x3FB5]  }
0x2d: {  	s3 =	simm.s32 $0x108;
	s8 =	sld [smem:$0x3FB6]  }
0x2e: {  	s3 =	simm.s32 @!p0 $0x1082;
	s9 =	sld [smem:$0x3FB7]  }
0x2f: {  	lr =	sadd.s32 s0, s3;
	s0 =	sld [smem:$0x3FAE]  }
0x30: {  	s3 =	sld [smem:$0x3FB1]  }
0x31: {  	[smem:$0x3FBA] =	sst s10  }
0x32: {  	s10 =	sld [smem:$0x3FB8];
	_ =	sdelay $0x3  }
0x33: {  	p0 =	seq.s32 s10, $0x1;
	s10 =	sld [smem:$0x3FBA];
	_ =	sdelay $0x3  }
0x34: {  	[smem:$0x3FBA] =	sst s10  }
0x35: {  	s10 =	sld [smem:$0x3FB9];
	_ =	sdelay $0x3  }
0x36: {  	p1 =	seq.s32 s10, $0x1;
	s10 =	sld [smem:$0x3FBA];
	_ =	sdelay $0x3  }
0x37: {  	[smem:$0x3FBA] =	sst s10  }
0x38: {  	s10 =	sld [smem:$0x3FBB]  }
0x39: {  	_ = 	snop;
	(pc) =	sbr.ind lr, $3  }
0x3a: {  	_ = 	snop  }
0x3b: {  	_ = 	snop  }
0x3c: {  	p2 =	seq.s32 s10, $0x1;
	s10 =	sld [smem:$0x3FBA]  }
0x3d: {  	_ =	shalt  }
0x3e: {  	_ =	shalt  }
0x3f: {  	_ =	shalt  }
0x40: {  	_ =	shalt  }
0x41: {  	_ =	shalt  }
0x42: {  	_ =	shalt  }
0x43: {  	_ =	shalt  }
0x44: {  	_ =	shalt  }
0x45: {  	_ =	shalt  }
0x46: {  	_ =	shalt  }
0x47: {  	_ =	shalt  }
0x48: {  	_ =	shalt  }
0x49: {  	_ =	shalt  }
0x4a: {  	_ =	shalt  }
0x4b: {  	_ =	shalt  }
0x4c: {  	_ =	shalt  }
0x4d: {  	_ =	shalt  }
0x4e: {  	_ =	shalt  }
0x4f: {  	_ =	shalt  }
0x50: {  	_ =	shalt  }
0x51: {  	_ =	shalt  }
0x52: {  	_ =	shalt  }
0x53: {  	_ =	shalt  }
0x54: {  	_ =	shalt  }
0x55: {  	_ =	shalt  }
0x56: {  	_ =	shalt  }
0x57: {  	_ =	shalt  }
0x58: {  	_ =	shalt  }
0x59: {  	_ =	shalt  }
0x5a: {  	_ =	shalt  }
0x5b: {  	_ =	shalt  }
0x5c: {  	_ =	shalt  }
0x5d: {  	_ =	shalt  }
0x5e: {  	_ =	shalt  }
0x5f: {  	_ =	shalt  }
0x60: {  	_ =	shalt  }
0x61: {  	_ =	shalt  }
0x62: {  	_ =	shalt  }
0x63: {  	_ =	shalt  }
0x64: {  	_ =	shalt  }
0x65: {  	_ =	shalt  }
0x66: {  	_ =	shalt  }
0x67: {  	_ =	shalt  }
0x68: {  	_ =	shalt  }
0x69: {  	_ =	shalt  }
0x6a: {  	_ =	shalt  }
0x6b: {  	_ =	shalt  }
0x6c: {  	_ =	shalt  }
0x6d: {  	_ =	shalt  }
0x6e: {  	_ =	shalt  }
0x6f: {  	_ =	shalt  }
0x70: {  	_ =	shalt  }
0x71: {  	_ =	shalt  }
0x72: {  	_ =	shalt  }
0x73: {  	_ =	shalt  }
0x74: {  	_ =	shalt  }
0x75: {  	_ =	shalt  }
0x76: {  	_ =	shalt  }
0x77: {  	_ =	shalt  }
0x78: {  	_ =	shalt  }
0x79: {  	_ =	shalt  }
0x7a: {  	_ =	shalt  }
0x7b: {  	_ =	shalt  }
0x7c: {  	_ =	shalt  }
0x7d: {  	_ =	shalt  }
0x7e: {  	_ =	shalt  }
0x7f: {  	_ =	shalt  }
0x80: {  	_ =	shalt  }
0x81: {  	_ =	shalt  }
0x82: {  	_ =	shalt  }
0x83: {  	_ =	shalt  }
0x84: {  	_ =	shalt  }
0x85: {  	_ =	shalt  }
0x86: {  	_ =	shalt  }
0x87: {  	_ =	shalt  }
.Lfunc_end0:
.L_simem_size_0:
called_computation.1_lowered:
.L_overlay_start_0:
0x88: {  	s2 =	sld [smem:$0x3FD9]  }
0x89: {  	s3 =	sld [smem:$0x3FFE];
	_ =	sdelay $0x1  }
0x8a: {  	s1 =	srdreg.scid  }
0x8b: {  	s0 =	sand.u32 $0x1, s1  }
0x8c: {  	s17 =	sshll.u32 s0, $0xA;
	s2 =	sadd.s32 s3, s2  }
0x8d: {  	s2 =	sadd.s32 s2, s17  }
0x8e: {  	[smem:$0x3FC6] =	sst s2  }
0x8f: {  	_ = 	snop  }
0x90: {  	s2 =	sld [smem:$0x3FD0];
	(tm) =	ssettm $0x1  }
0x91: {  	s18 =	sld [smem:$0x3FFB];
	_ =	sdelay $0x3  }
0x92: {  	_ =	strace s18  }
0x93: {  	s3 =	sld [smem:$0x3FFC];
	_ =	sdelay $0x3  }
0x94: {  	_ =	strace s3  }
0x95: {  	s3 =	sld [smem:$0x3FFD];
	_ =	sdelay $0x3  }
0x96: {  	_ =	strace s3  }
0x97: {  	_ =	strace $0x8FFFFFFF  }
0x98: {  	s19 =	sld [smem:$0x3FDB];
	_ =	sdelay $0x1  }
0x99: {  	s4 =	simm.s32 $_scs_section_size  }
0x9a: {  	s5 =	simm.s32 $_size__tile_overlayer_lowered;
	s6 =	simm.s32 $_tile_overlayer_lowered  }
0x9b: {  	s22 =	simm.s32 $0x1BFF;
	s21 =	sshll.u32 s6, $0x1;
	s3 =	sadd.s32 s4, s19  }
0x9c: {  	s7 =	simm.s32 $0x0;
	s20 =	sshll.u32 s5, $0x1;
	s5 =	sadd.s32 s21, s3  }
0x9d: {  	[timem:s7], [sflag:s22] =	dma.local [hbm:s5], s20  }
0x9e: {  	_ =	swait.ge [sflag:s22], s20  }
0x9f: {  	s4 =	ssub.s32 $0x0, s20;
	[sflag:s22] =	ssyncset.done $0x0  }
0xa0: {  	[sflag:s22] =	ssyncadd.s32 s4;
	_ =	sdelay $0x1  }
0xa1: {  	s23 =	simm.s32 $0x1B8B  }
0xa2: {  	_ =	swait.ge [sflag:s23], $0x1  }
0xa3: {  	[sflag:s23] =	ssyncset.done $0x0  }
0xa4: {  	s25 =	simm.s32 $0x1B8E;
	s24 =	sld [smem:$0x3FFE];
	[sflag:s23] =	ssyncadd.s32 $0xFFFFFFFF  }
0xa5: {  	s26 =	simm.s32 $execute0_lowered;
	[smem:$0x3FD2] =	sst s25  }
0xa6: {  	s5 =	sshll.u32 s26, $0x1;
	_ =	strace $0x80000046;
	[dreg:$0x1] =	wrdreg $0xFFFFFFFF  }
0xa7: {  	s28 =	simm.s32 $_size_execute0_lowered;
	s3 =	sadd.s32 s3, s5;
	[dreg:$0x0] =	wrdreg $0x0  }
0xa8: {  	s5 =	sshll.u32 s28, $0x1;
	[dreg:$0x2] =	wrdreg s3  }
0xa9: {  	[dreg:$0x3] =	wrdreg s5  }
0xaa: {  	[dreg:$0x4] =	wrdreg $0xC0  }
0xab: {  	_ =	task [dreg:s7], $0x5FFFF  }
0xac: {  	[dreg:$0x1] =	wrdreg $0xFFFFFFFF  }
0xad: {  	[dreg:$0x0] =	wrdreg $0x60  }
0xae: {  	[dreg:$0x2] =	wrdreg s24  }
0xaf: {  	[dreg:$0x3] =	wrdreg s2  }
0xb0: {  	[dreg:$0x4] =	wrdreg $0x9  }
0xb1: {  	_ =	task.clear_ibuf [dreg:s7], $0x5FFFF;
	_ =	strace $0x90000046  }
0xb2: {  	s29 =	simm.s32 $0x9;
	_ =	strace $0x80000048  }
0xb3: {  	_ =	swait.ge [sflag:s29], $0x1  }
0xb4: {  	[sflag:s29] =	ssyncadd.s32 $0xFFFFFFFF  }
0xb5: {  	_ =	strace $0x90000048  }
0xb6: {  	_ =	sfence  }
0xb7: {  	s30 =	sld [smem:$0x0];
	_ =	sdelay $0x2  }
0xb8: {  	s31 =	sshll.u32 s1, $0xD;
	s1 =	sshrl.u32 s1, $0x2  }
0xb9: {  	s3 =	sand.u32 $0x4000, s31;
	s1 =	sadd.s32 s1, s30  }
0xba: {  	s0 =	sor.u32 s3, s0;
	s1 =	sshll.u32 s1, $0x11  }
0xbb: {  	s0 =	sor.u32 s1, s0  }
0xbc: {  	s0 =	sadd.s32 $0x8F2B, s0  }
0xbd: {  	[sflag:s0] =	ssyncadd.remote.s32 $0x1  }
0xbe: {  	_ =	sfence.sel $0xFFFF  }
0xbf: {  	[dreg:$0x0] =	wrdreg $0xFFFFFFFF;
	(pc) =	sbr.abs _section_cstart, $3  }
0xc0: {  	[dreg:$0x1] =	wrdreg $0xFFFFFFFF  }
0xc1: {  	_ =	task.clear_ibuf [dreg:s7], $0x2FFFF;
	_ =	strace $0x9FFFFFFF  }
0xc2: {  	(tm) =	ssettm $0x7FFFFFFF  }
0xc3: {  	_ =	shalt  }
tec
execute0_lowered:
.L_overlay_start_1:
0x0: {  	(tag) =	ssettag $0x1  }
0x1: {  	s0 =	rddreg [dreg:$0x0]  }
0x2: {  	s1 =	rddreg [dreg:$0x1]  }
0x3: {  	s2 =	srdreg.scid;
	s9 =	stileid.u32  }
0x4: {  	s4 =	simm.s32 $0x0;
	s10 =	simm.s32 $0x80;
	s11 =	simm.s32 $0x6400  }
0x5: {  	s12 =	simm.s32 $0x8400;
	s14 =	simm.s32 $0xA400;
	s16 =	simm.s32 $0xC400  }
0x6: {  	s18 =	simm.s32 $0xE400;
	s20 =	simm.s32 $0x10400;
	s28 =	simm.s32 $0x16400  }
0x7: {  	s29 =	simm.s32 $0x18400;
	s30 =	simm.s32 $0x1A400;
	s31 =	simm.s32 $0x1C400  }
0x8: {  	s13 =	simm.s32 $0x4;
	s15 =	simm.s32 $0x5;
	s17 =	simm.s32 $0x3  }
0x9: {  	s19 =	simm.s32 $0x0;
	s2 =	sand.u32 $0x1, s2;
	s6 =	smul.u32 $0x640000, s9  }
0xa: {  	s3 =	sshll.u32 s9, $0x1;
	[smem:$0x7FF] =	sst s4;
	s22 =	smul.u32 $0xC8000, s9  }
0xb: {  	s9 =	simm.s32 $0x7;
	s3 =	sor.u32 s2, s3;
	s8 =	smul.u32 $0x320000, s2  }
0xc: {  	_ =	strace $0x80000047;
	s5 =	ssub.s32 $0x2, s2;
	s2 =	smul.u32 $0x64000, s2  }
0xd: {  	s21 =	smul.u32 $0xC80, s3;
	s3 =	sadd.s32 $0x800, s0;
	s7 =	sshrl.u32 s5, $0x1  }
0xe: {  	s0 =	sadd.s32 $0x7C0800, s0;
	s5 =	ssub.s32 s5, s7;
	s24 =	sadd.s32 s8, s6  }
0xf: {  	s1 =	sadd.s32 s1, s21;
	s23 =	smax.u32 s5, $0x1;
	s25 =	sadd.s32 $0x20000, s24  }
0x10: {  	s4 =	sor.u32 $0x10000, s24;
	s24 =	simm.s32 $0x14400;
	[dreg:$0x3] =	wrdreg s1  }
.Ltmp0:
0x11: {  	[dreg:$0x4] =	wrdreg s23;
	s1 =	sadd.s32 s22, s0;
	(pc) =	sbr.rel .LBB2_1-.Ltmp0, $4  }
0x12: {  	s26 =	sshrl.u32 s25, $0x3;
	s4 =	sshrl.u32 s4, $0x3;
	s22 =	simm.s32 $0x12400  }
0x13: {  	s25 =	simm.s32 $0x1;
	s1 =	sadd.s32 s2, s1;
	s21 =	sadd.s32 s4, s0  }
0x14: {  	[dreg:$0x5] =	wrdreg s1;
	s1 =	sadd.s32 s26, s0;
	s26 =	simm.s32 $0x40  }
0x15: {  	s0 =	simm.s32 $0x2;
	[dreg:$0x6] =	wrdreg s1;
	s1 =	simm.s32 $0x6  }
.LBB2_8:
0x16: {  	_ =	swait.ge [sflag:s1], $0x8000  }
0x17: {  	[sflag:s1] =	ssyncset.done $0x0  }
0x18: {  	[sflag:s1] =	ssyncadd.s32 $0xFFFF8000  }
0x19: {  	_ =	swait.ge [sflag:s13], $0x8000  }
0x1a: {  	[sflag:s13] =	ssyncset.done $0x0  }
0x1b: {  	[sflag:s13] =	ssyncadd.s32 $0xFFFF8000  }
0x1c: {  	_ =	swait.ge [sflag:s15], $0x8000  }
0x1d: {  	s19 =	sadd.s32 $0x1, s19;
	s2 =	rddreg [dreg:$0x4]  }
0x1e: {  	p0 =	sne.s32 s19, s2  }
.Ltmp1:
0x1f: {  	_ = 	snop;
	(pc) =	sbr.rel @!p0 .LBB2_9-.Ltmp1, $3  }
0x20: {  	_ =	sdelay $0x1  }
0x21: {  	[sflag:s15] =	ssyncset.done $0x0  }
0x22: {  	[sflag:s15] =	ssyncadd.s32 $0xFFFF8000  }
.LBB2_1:
0x23: {  	s2 =	simm.s32 $0x0;
	s4 =	rddreg [dreg:$0x3]  }
0x24: {  	[tilespmem:s2], [sflag:$0x7] =	stream.linear.gather [hbm4b:s4+s2], $0x6400, $0x38;
	[tilespmem:$0x1E400] =	vst v63  }
0x25: {  	_ =	swait.ge [sflag:s9], $0x6400  }
0x26: {  	[sflag:s9] =	ssyncset.done $0x0  }
0x27: {  	[sflag:s9] =	ssyncadd.s32 $0xFFFF9C00  }
0x28: {  	[tilespmem:s11], [sflag:$0x1] =	stream.indirect.gather [hbm4b:s3+s10], $0x40, s2, s10, $0xb8;
	[tilespmem:$0x1E400] =	vst v63  }
0x29: {  	_ = 	snop  }
0x2a: {  	[tilespmem:s12], [sflag:$0x1] =	stream.indirect.gather [hbm4b:s3+s10], $0x40, s10, s10, $0xb8;
	[tilespmem:$0x1E400] =	vst v63  }
0x2b: {  	s4 =	simm.s32 $0x100  }
0x2c: {  	[tilespmem:s14], [sflag:$0x1] =	stream.indirect.gather [hbm4b:s3+s10], $0x40, s4, s10, $0xb8;
	[tilespmem:$0x1E400] =	vst v63  }
0x2d: {  	s5 =	simm.s32 $0x180  }
0x2e: {  	[tilespmem:s16], [sflag:$0x1] =	stream.indirect.gather [hbm4b:s3+s10], $0x40, s5, s10, $0xb8;
	[tilespmem:$0x1E400] =	vst v63  }
0x2f: {  	s6 =	simm.s32 $0x200  }
0x30: {  	[tilespmem:s18], [sflag:$0x2] =	stream.indirect.gather [hbm4b:s3+s10], $0x40, s6, s10, $0xb8;
	[tilespmem:$0x1E400] =	vst v63  }
0x31: {  	s7 =	simm.s32 $0x280;
	s8 =	simm.s32 $0x300  }
0x32: {  	[tilespmem:s20], [sflag:$0x2] =	stream.indirect.gather [hbm4b:s3+s10], $0x40, s7, s10, $0xb8;
	[tilespmem:$0x1E400] =	vst v63  }
0x33: {  	s23 =	simm.s32 $0x380;
	s4 =	simm.s32 $0x0;
	s6 =	rddreg [dreg:$0x5]  }
0x34: {  	[tilespmem:s22], [sflag:$0x2] =	stream.indirect.gather [hbm4b:s3+s10], $0x40, s8, s10, $0xb8;
	[tilespmem:$0x1E400] =	vst v63  }
0x35: {  	s5 =	simm.s32 $0x0;
	s7 =	rddreg [dreg:$0x6];
	s8 =	smov.u32 s21  }
0x36: {  	[tilespmem:s24], [sflag:$0x2] =	stream.indirect.gather [hbm4b:s3+s10], $0x40, s23, s10, $0xb8;
	[tilespmem:$0x1E400] =	vst v63  }
.LBB2_2:
0x37: {  	_ =	swait.ge [sflag:s25], $0x2000  }
0x38: {  	[sflag:s25] =	ssyncset.done $0x0  }
0x39: {  	[sflag:s25] =	ssyncadd.s32 $0xFFFFE000  }
0x3a: {  	_ =	swait.ge [sflag:s25], $0x2000  }
0x3b: {  	[sflag:s25] =	ssyncset.done $0x0  }
0x3c: {  	[sflag:s25] =	ssyncadd.s32 $0xFFFFE000  }
0x3d: {  	_ =	swait.ge [sflag:s25], $0x2000  }
0x3e: {  	p0 =	seq.s32 s5, $0x0;
	[sflag:s25] =	ssyncset.done $0x0  }
.Ltmp2:
0x3f: {  	[sflag:s25] =	ssyncadd.s32 $0xFFFFE000;
	(pc) =	sbr.rel @p0 .LBB2_5-.Ltmp2, $4  }
0x40: {  	_ =	swait.ge [sflag:s25], $0x2000  }
0x41: {  	[sflag:s25] =	ssyncset.done $0x0  }
0x42: {  	[sflag:s25] =	ssyncadd.s32 $0xFFFFE000  }
0x43: {  	[hbm4b:s6+s26] =	stream.strided.scatter [tilespmem:s11], [sflag:$0x4], $0x8000, s10, s26, $0x38;
	[tilespmem:$0x1E400] =	vst v63  }
0x44: {  	p0 =	seq.s32 s5, $0x10  }
.Ltmp3:
0x45: {  	_ = 	snop;
	(pc) =	sbr.rel @p0 .LBB2_6-.Ltmp3, $1  }
0x46: {  	_ =	sdelay $0x3  }
0x47: {  	_ =	swait.ge [sflag:s1], $0x8000  }
0x48: {  	[sflag:s1] =	ssyncset.done $0x0  }
0x49: {  	[sflag:s1] =	ssyncadd.s32 $0xFFFF8000  }
.LBB2_5:
0x4a: {  	s2 =	sshra.s32 s4, $0x2  }
0x4b: {  	s23 =	sadd.s32 $0x400, s2  }
0x4c: {  	[tilespmem:s28], [sflag:$0x3] =	stream.indirect.gather [hbm4b:s3+s10], $0x40, s23, s10, $0xb8;
	[tilespmem:$0x1E400] =	vst v63  }
0x4d: {  	s23 =	sadd.s32 $0x480, s2  }
0x4e: {  	[tilespmem:s29], [sflag:$0x3] =	stream.indirect.gather [hbm4b:s3+s10], $0x40, s23, s10, $0xb8;
	[tilespmem:$0x1E400] =	vst v63  }
0x4f: {  	s23 =	sadd.s32 $0x500, s2  }
0x50: {  	[tilespmem:s30], [sflag:$0x3] =	stream.indirect.gather [hbm4b:s3+s10], $0x40, s23, s10, $0xb8;
	[tilespmem:$0x1E400] =	vst v63  }
0x51: {  	s2 =	sadd.s32 $0x580, s2  }
0x52: {  	[tilespmem:s31], [sflag:$0x3] =	stream.indirect.gather [hbm4b:s3+s10], $0x40, s2, s10, $0xb8;
	[tilespmem:$0x1E400] =	vst v63  }
.LBB2_6:
0x53: {  	_ =	swait.ge [sflag:s0], $0x2000  }
0x54: {  	[sflag:s0] =	ssyncset.done $0x0  }
0x55: {  	[sflag:s0] =	ssyncadd.s32 $0xFFFFE000  }
0x56: {  	_ =	swait.ge [sflag:s0], $0x2000  }
0x57: {  	[sflag:s0] =	ssyncset.done $0x0  }
0x58: {  	[sflag:s0] =	ssyncadd.s32 $0xFFFFE000  }
0x59: {  	_ =	swait.ge [sflag:s0], $0x2000  }
0x5a: {  	p0 =	seq.s32 s4, $0x18000;
	[sflag:s0] =	ssyncset.done $0x0  }
.Ltmp4:
0x5b: {  	[sflag:s0] =	ssyncadd.s32 $0xFFFFE000;
	(pc) =	sbr.rel @p0 .LBB2_8-.Ltmp4, $4  }
0x5c: {  	_ =	swait.ge [sflag:s0], $0x2000  }
0x5d: {  	[sflag:s0] =	ssyncset.done $0x0  }
0x5e: {  	[sflag:s0] =	ssyncadd.s32 $0xFFFFE000  }
0x5f: {  	[hbm4b:s8+s26] =	stream.strided.scatter [tilespmem:s18], [sflag:$0x5], $0x8000, s10, s26, $0x38;
	[tilespmem:$0x1E400] =	vst v63  }
0x60: {  	_ =	swait.ge [sflag:s13], $0x8000  }
0x61: {  	s2 =	sshra.s32 s4, $0x2;
	[sflag:s13] =	ssyncset.done $0x0  }
0x62: {  	s23 =	sadd.s32 $0x600, s2;
	[sflag:s13] =	ssyncadd.s32 $0xFFFF8000  }
0x63: {  	[tilespmem:s11], [sflag:$0x1] =	stream.indirect.gather [hbm4b:s3+s10], $0x40, s23, s10, $0xb8;
	[tilespmem:$0x1E400] =	vst v63  }
0x64: {  	s23 =	sadd.s32 $0x680, s2  }
0x65: {  	[tilespmem:s12], [sflag:$0x1] =	stream.indirect.gather [hbm4b:s3+s10], $0x40, s23, s10, $0xb8;
	[tilespmem:$0x1E400] =	vst v63  }
0x66: {  	s23 =	sadd.s32 $0x700, s2  }
0x67: {  	[tilespmem:s14], [sflag:$0x1] =	stream.indirect.gather [hbm4b:s3+s10], $0x40, s23, s10, $0xb8;
	[tilespmem:$0x1E400] =	vst v63  }
0x68: {  	s23 =	sadd.s32 $0x780, s2  }
0x69: {  	[tilespmem:s16], [sflag:$0x1] =	stream.indirect.gather [hbm4b:s3+s10], $0x40, s23, s10, $0xb8;
	[tilespmem:$0x1E400] =	vst v63  }
0x6a: {  	_ =	swait.ge [sflag:s17], $0x2000  }
0x6b: {  	[sflag:s17] =	ssyncset.done $0x0  }
0x6c: {  	[sflag:s17] =	ssyncadd.s32 $0xFFFFE000  }
0x6d: {  	_ =	swait.ge [sflag:s17], $0x2000  }
0x6e: {  	[sflag:s17] =	ssyncset.done $0x0  }
0x6f: {  	[sflag:s17] =	ssyncadd.s32 $0xFFFFE000  }
0x70: {  	_ =	swait.ge [sflag:s17], $0x2000  }
0x71: {  	[sflag:s17] =	ssyncset.done $0x0  }
0x72: {  	[sflag:s17] =	ssyncadd.s32 $0xFFFFE000  }
0x73: {  	_ =	swait.ge [sflag:s17], $0x2000  }
0x74: {  	[sflag:s17] =	ssyncset.done $0x0  }
0x75: {  	[sflag:s17] =	ssyncadd.s32 $0xFFFFE000  }
0x76: {  	[hbm4b:s7+s26] =	stream.strided.scatter [tilespmem:s28], [sflag:$0x6], $0x8000, s10, s26, $0x38;
	[tilespmem:$0x1E400] =	vst v63  }
0x77: {  	_ =	swait.ge [sflag:s15], $0x8000  }
0x78: {  	[sflag:s15] =	ssyncset.done $0x0  }
0x79: {  	s23 =	sadd.s32 $0x800, s2;
	[sflag:s15] =	ssyncadd.s32 $0xFFFF8000  }
0x7a: {  	[tilespmem:s18], [sflag:$0x2] =	stream.indirect.gather [hbm4b:s3+s10], $0x40, s23, s10, $0xb8;
	[tilespmem:$0x1E400] =	vst v63  }
0x7b: {  	s23 =	sadd.s32 $0x880, s2  }
0x7c: {  	[tilespmem:s20], [sflag:$0x2] =	stream.indirect.gather [hbm4b:s3+s10], $0x40, s23, s10, $0xb8;
	[tilespmem:$0x1E400] =	vst v63  }
.Ltmp5:
0x7d: {  	s5 =	sadd.s32 $0x1, s5;
	(pc) =	sbr.rel .LBB2_2-.Ltmp5, $4  }
0x7e: {  	s4 =	sadd.s32 $0x1800, s4;
	s6 =	sadd.s32 $0x6000, s6;
	s23 =	sadd.s32 $0x900, s2  }
0x7f: {  	[tilespmem:s22], [sflag:$0x2] =	stream.indirect.gather [hbm4b:s3+s10], $0x40, s23, s10, $0xb8;
	[tilespmem:$0x1E400] =	vst v63  }
0x80: {  	s8 =	sadd.s32 $0x6000, s8;
	s7 =	sadd.s32 $0x6000, s7;
	s2 =	sadd.s32 $0x980, s2  }
0x81: {  	[tilespmem:s24], [sflag:$0x2] =	stream.indirect.gather [hbm4b:s3+s10], $0x40, s2, s10, $0xb8;
	[tilespmem:$0x1E400] =	vst v63  }
.LBB2_9:
0x82: {  	_ =	sfence.sel $0x180000  }
0x83: {  	[bflag:$0x0] =	sbarrier.arrive $0xFFFF  }
0x84: {  	_ =	strace $0x90000047  }
0x85: {  	s0 =	stileid.u32;
	[bflag:$0x2] =	sbarrier.arrive $0xFFFF  }
0x86: {  	p0 =	sne.s32 s0, $0x0;
	s0 =	rddreg [dreg:$0x2]  }
0x87: {  	s0 =	sadd.s32 @!p0 $0x100000, s0  }
0x88: {  	[sflag:s0] =	ssyncadd.tile.s32 @!p0 $0x1;
	_ =	shalt  }
.Lfunc_end2:
_tile_overlayer_lowered:
.L_overlay_start_2:
0x89: {  	(tag) =	ssettag $0x2  }
0x8a: {  	s0 =	rddreg [dreg:$0x0];
	s2 =	stileid.u32  }
0x8b: {  	s1 =	rddreg [dreg:$0x1];
	p0 =	sne.s32 s2, $0x0  }
0x8c: {  	s3 =	rddreg [dreg:$0x2];
	[bflag:$0x3] =	sbarrier.arrive $0xFFFF;
	s2 =	simm.s32 @!p0 $0x1C07  }
0x8d: {  	[timem:s3], [sflag:s2] =	dma.local @!p0 [hbm:s0], s1  }
0x8e: {  	s0 =	simm.s32 @!p0 $0x7  }
0x8f: {  	_ =	swait.ge @!p0 [sflag:s0], s1  }
0x90: {  	s1 =	ssub.s32 @!p0 $0x0, s1;
	[sflag:s0] =	ssyncset.done @!p0 $0x0  }
0x91: {  	[sflag:s0] =	ssyncadd.s32 @!p0 s1  }
0x92: {  	[bflag:$0x3] =	sbarrier.arrive $0xFFFF  }
0x93: {  	_ =	shalt  }

// kernel: sparse-core-data-format-call.cloned.1.call-start
scs
called_computation_lowered:
.L_overlay_start_0:
0x0: {  	s2 =	sld [smem:$0x3FD9]  }
0x1: {  	s3 =	sld [smem:$0x3FFE];
	_ =	sdelay $0x1  }
0x2: {  	s1 =	srdreg.scid  }
0x3: {  	s0 =	sand.u32 $0x1, s1  }
0x4: {  	s18 =	sshll.u32 s0, $0xA;
	s2 =	sadd.s32 s3, s2  }
0x5: {  	s2 =	sadd.s32 s2, s18  }
0x6: {  	[smem:$0x3FC6] =	sst s2  }
0x7: {  	_ = 	snop  }
0x8: {  	s2 =	sld [smem:$0x3FD0];
	(tm) =	ssettm $0x1  }
0x9: {  	s19 =	sld [smem:$0x3FFB];
	_ =	sdelay $0x3  }
0xa: {  	_ =	strace s19  }
0xb: {  	s3 =	sld [smem:$0x3FFC];
	_ =	sdelay $0x3  }
0xc: {  	_ =	strace s3  }
0xd: {  	s3 =	sld [smem:$0x3FFD];
	_ =	sdelay $0x3  }
0xe: {  	_ =	strace s3  }
0xf: {  	_ =	strace $0x8FFFFFFF  }
0x10: {  	s20 =	sld [smem:$0x3FDB];
	_ =	sdelay $0x1  }
0x11: {  	s4 =	simm.s32 $_scs_section_size  }
0x12: {  	s5 =	simm.s32 $_size__tile_overlayer_lowered;
	s6 =	simm.s32 $_tile_overlayer_lowered  }
0x13: {  	s23 =	simm.s32 $0x1BFF;
	s22 =	sshll.u32 s6, $0x1;
	s3 =	sadd.s32 s4, s20  }
0x14: {  	s7 =	simm.s32 $0x0;
	s21 =	sshll.u32 s5, $0x1;
	s5 =	sadd.s32 s22, s3  }
0x15: {  	[timem:s7], [sflag:s23] =	dma.local [hbm:s5], s21  }
0x16: {  	_ =	swait.ge [sflag:s23], s21  }
0x17: {  	s4 =	ssub.s32 $0x0, s21;
	[sflag:s23] =	ssyncset.done $0x0  }
0x18: {  	[sflag:s23] =	ssyncadd.s32 s4;
	_ =	sdelay $0x1  }
0x19: {  	s24 =	simm.s32 $0x1B8B  }
0x1a: {  	_ =	swait.ge [sflag:s24], $0x1  }
0x1b: {  	[sflag:s24] =	ssyncset.done $0x0  }
0x1c: {  	s26 =	simm.s32 $0x1B8E;
	s25 =	sld [smem:$0x3FFE];
	[sflag:s24] =	ssyncadd.s32 $0xFFFFFFFF  }
0x1d: {  	s27 =	simm.s32 $execute0_lowered;
	[smem:$0x3FD2] =	sst s26  }
0x1e: {  	s5 =	sshll.u32 s27, $0x1;
	_ =	strace $0x80000049;
	[dreg:$0x1] =	wrdreg $0xFFFFFFFF  }
0x1f: {  	s28 =	simm.s32 $_size_execute0_lowered;
	s3 =	sadd.s32 s3, s5;
	[dreg:$0x0] =	wrdreg $0x0  }
0x20: {  	s5 =	sshll.u32 s28, $0x1;
	[dreg:$0x2] =	wrdreg s3  }
0x21: {  	[dreg:$0x3] =	wrdreg s5  }
0x22: {  	[dreg:$0x4] =	wrdreg $0xC0  }
0x23: {  	_ =	task [dreg:s7], $0x5FFFF  }
0x24: {  	[dreg:$0x1] =	wrdreg $0xFFFFFFFF  }
0x25: {  	[dreg:$0x0] =	wrdreg $0x60  }
0x26: {  	[dreg:$0x2] =	wrdreg s25  }
0x27: {  	[dreg:$0x3] =	wrdreg s2  }
0x28: {  	[dreg:$0x4] =	wrdreg $0x9  }
0x29: {  	_ =	task.clear_ibuf [dreg:s7], $0x5FFFF;
	_ =	strace $0x90000049  }
0x2a: {  	s29 =	simm.s32 $0x9;
	_ =	strace $0x8000004B  }
0x2b: {  	_ =	swait.ge [sflag:s29], $0x1  }
0x2c: {  	[sflag:s29] =	ssyncadd.s32 $0xFFFFFFFF  }
0x2d: {  	_ =	strace $0x9000004B  }
0x2e: {  	_ =	sfence  }
0x2f: {  	s30 =	sld [smem:$0x0];
	_ =	sdelay $0x2  }
0x30: {  	s31 =	sshll.u32 s1, $0xD;
	s1 =	sshrl.u32 s1, $0x2  }
0x31: {  	s3 =	sand.u32 $0x4000, s31;
	s1 =	sadd.s32 s1, s30  }
0x32: {  	s0 =	sor.u32 s3, s0;
	s1 =	sshll.u32 s1, $0x11  }
0x33: {  	s0 =	sor.u32 s1, s0  }
0x34: {  	s0 =	sadd.s32 $0x8F2B, s0  }
0x35: {  	[sflag:s0] =	ssyncadd.remote.s32 $0x1  }
0x36: {  	_ =	sfence.sel $0xFFFF  }
0x37: {  	[dreg:$0x0] =	wrdreg $0xFFFFFFFF;
	(pc) =	sbr.abs _section_cstart, $3  }
0x38: {  	[dreg:$0x1] =	wrdreg $0xFFFFFFFF  }
0x39: {  	_ =	task.clear_ibuf [dreg:s7], $0x2FFFF;
	_ =	strace $0x9FFFFFFF  }
0x3a: {  	(tm) =	ssettm $0x7FFFFFFF  }
0x3b: {  	_ =	shalt  }
tec
execute0_lowered:
.L_overlay_start_1:
0x0: {  	(tag) =	ssettag $0x1  }
0x1: {  	s0 =	srdreg.scid  }
0x2: {  	s1 =	sshll.u32 s0, $0x4  }
0x3: {  	s0 =	stileid.u32;
	s1 =	sand.u32 $0x10, s1  }
0x4: {  	s1 =	sor.u32 s0, s1  }
0x5: {  	s6 =	rddreg [dreg:$0x0];
	s4 =	simm.s32 $0x1;
	s2 =	sshll.u32 s1, $0x7  }
0x6: {  	s7 =	simm.s32 $0x2;
	s12 =	simm.s32 $0x0;
	s1 =	ssub.s32 $0x1000, s2  }
0x7: {  	s8 =	simm.s32 $0x8000;
	s13 =	simm.s32 $0x0;
	s3 =	sand.u32 $0xF80, s1  }
0x8: {  	s9 =	simm.s32 $0x0;
	s5 =	sshrl.u32 s1, $0xC;
	p0 =	sne.s32 s3, $0x0  }
.Ltmp0:
0x9: {  	s1 =	rddreg [dreg:$0x2];
	s4 =	simm.s32 @!p0 $0x0;
	(pc) =	sbr.rel .LBB1_1-.Ltmp0, $4  }
0xa: {  	s11 =	simm.s32 $0x0;
	s3 =	rddreg [dreg:$0x1];
	s5 =	sadd.s32 s4, s5  }
0xb: {  	_ =	strace $0x8000004A;
	s4 =	simm.s32 $0x1;
	s5 =	smul.u32 $0xC8, s5  }
0xc: {  	s6 =	sadd.s32 $0x7C0800, s6;
	s10 =	smov.u32 s2;
	[sflag:s4] =	ssyncpa.u1 $0x0  }
0xd: {  	p0 =	por $0x0, $0x0;
	[sflag:s7] =	ssyncpa.u1 $0x0;
	s7 =	sor.u32 $0x1, s5  }
.LBB1_4:
0xe: {  	s16 =	sshll.u32 s13, $0x3;
	s17 =	sand.u32 $0x78, s13  }
0xf: {  	s30 =	sand.u32 $0x7E00, s13;
	s12 =	sshll.u32 s12, $0xF;
	s16 =	sand.u32 $0xC00, s16  }
0x10: {  	[tilespmem:s15+$0x810 ss:$0x81] =	vst.msk $0xffff, v2;
	s31 =	sand.u32 $0x7, s13;
	s16 =	sor.u32 s17, s16;
	s17 =	sadd.s32 s3, s30  }
0x11: {  	[tilespmem:s15+$0x1020 ss:$0x81] =	vst.msk $0xffff, v0;
	s13 =	sshll.u32 s31, $0x12;
	s12 =	sadd.s32 s12, s17;
	s16 =	sshrl.u32 s16, $0x3  }
0x12: {  	[tilespmem:s15+$0x0 ss:$0x81] =	vst.msk $0xffff, v1;
	s13 =	sor.u32 $0x400, s13;
	s12 =	sadd.s32 s16, s12  }
0x13: {  	[hbm4b:s12+s13] =	stream.strided.scatter [tilespmem:s14], [sflag:$0x2], $0x2000, s8, s13, $0x20;
	[tilespmem:$0x8080] =	vst v63  }
.LBB1_5:
0x14: {  	s14 =	sadd.s32 $0x1, s9  }
0x15: {  	s12 =	sadd.s32 $0x1000, s10;
	s16 =	smov.u32 s10;
	p2 =	sgt.s32 s14, $0xC7  }
0x16: {  	s16 =	smov.u32 @p2 s12  }
0x17: {  	s14 =	simm.s32 @p2 $0x0;
	p2 =	sgt.s32 s16, $0xFFF  }
0x18: {  	s16 =	smov.u32 @p2 s2;
	p2 =	sne.s32 s11, s7  }
.Ltmp1:
0x19: {  	p1 =	slt.u32 s11, $0x2;
	(pc) =	sbr.rel @!p2 .LBB1_6-.Ltmp1, $4  }
0x1a: {  	s15 =	simm.s32 @!p1 $0x2  }
0x1b: {  	s13 =	smov.u32 s10;
	p0 =	por !p0, !p0;
	_ =	swait.ge @!p1 [sflag:s15], $0x2000  }
0x1c: {  	s12 =	smov.u32 s9;
	[sflag:s15] =	ssyncset.done @!p1 $0x0;
	s9 =	smov.u32 s14  }
0x1d: {  	s11 =	sadd.s32 $0x1, s11;
	[sflag:s15] =	ssyncadd.s32 @!p1 $0xFFFFE000;
	s10 =	smov.u32 s16  }
.LBB1_1:
0x1e: {  	p1 =	sge.u32 s11, s5  }
0x1f: {  	s14 =	sand.u32 @!p1 $0x1FFFFFF, s9  }
0x20: {  	s15 =	smulhi.u32 @!p1 $0x147AE15, s14;
	_ =	sdelay $0x1  }
0x21: {  	s15 =	smul.u32 @!p1 $0xC8, s15  }
0x22: {  	s16 =	sxor.u32 @!p1 $0xFFFFFFFF, s11;
	s17 =	smul.u32 @!p1 $0xC80, s10  }
0x23: {  	s31 =	sadd.s32 $0xFFFFFFFF, s11;
	s16 =	sshll.u32 @!p1 s16, $0xD;
	s14 =	ssub.s32 @!p1 s14, s15  }
0x24: {  	s15 =	sand.u32 @!p1 $0x2000, s16;
	s16 =	sadd.s32 @!p1 s6, s17;
	s14 =	sshll.u32 @!p1 s14, $0x4  }
0x25: {  	s17 =	simm.s32 @!p1 $0x6400;
	s14 =	sadd.s32 @!p1 s14, s16;
	s16 =	simm.s32 @!p1 $0x40  }
0x26: {  	[tilespmem:s15], [sflag:$0x1] =	stream.strided.gather @!p1 [hbm4b:s14+s16], $0x2000, s17, s16, $0x38;
	[tilespmem:$0x8080] =	vst v63  }
0x27: {  	p1 =	sge.u32 s31, s5  }
.Ltmp2:
0x28: {  	_ = 	snop;
	(pc) =	sbr.rel @p1 .LBB1_5-.Ltmp2, $1  }
0x29: {  	_ =	sdelay $0x3  }
0x2a: {  	s14 =	simm.s32 $0x1  }
0x2b: {  	_ =	swait.ge [sflag:s4], $0x2000;
	s14 =	simm.s32 @!p0 $0x0  }
0x2c: {  	[sflag:s4] =	ssyncset.done $0x0;
	s15 =	sshll.u32 s14, $0xD  }
0x2d: {  	[sflag:s4] =	ssyncadd.s32 $0xFFFFE000;
	s18 =	sor.u32 $0x20, s15  }
0x2e: {  	s14 =	smul.u32 $0x8100, s14;
	v3 =	vld [tilespmem:s18+$0x10]  }
0x2f: {  	s30 =	sand.u32 $0x1, s11;
	v2 =	vld [tilespmem:s18+$0xFFFFFFF0]  }
0x30: {  	s15 =	smul.u32 $0x8100, s30;
	s14 =	sshrl.u32 s14, $0x2;
	v0 =	vld [tilespmem:s18+$0x0]  }
0x31: {  	v1 =	vld [tilespmem:s18+$0xFFFFFFE0];
	s16 =	sor.u32 $0x4000, s14  }
0x32: {  	s31 =	sshrl.u32 s15, $0x2;
	s15 =	sadd.s32 $0x0, s16  }
0x33: {  	s17 =	simm.s32 $0x4;
	s18 =	sadd.s32 $0x40, s18;
	s14 =	sor.u32 $0x4000, s31;
	[tilespmem:s15+$0x1830 ss:$0x81] =	vst.msk $0xffff, v3  }
.LBB1_3:
0x34: {  	v3 =	vld [tilespmem:s18+$0x10];
	p1 =	sne.s32 s17, $0x1FC;
	[tilespmem:s15+$0x810 ss:$0x81] =	vst.msk $0xffff, v2;
	s19 =	smov.u32 s17;
	s17 =	sadd.s32 $0x4, s17  }
.Ltmp3:
0x35: {  	v2 =	vld [tilespmem:s18+$0xFFFFFFF0];
	[tilespmem:s15+$0x1020 ss:$0x81] =	vst.msk $0xffff, v0;
	(pc) =	sbr.rel @p1 .LBB1_3-.Ltmp3, $4  }
0x36: {  	v0 =	vld [tilespmem:s18+$0x0];
	[tilespmem:s15+$0x0 ss:$0x81] =	vst.msk $0xffff, v1  }
0x37: {  	s15 =	sshra.s32 s19, $0x2;
	v1 =	vld [tilespmem:s18+$0xFFFFFFE0]  }
0x38: {  	s15 =	sadd.s32 s15, s16  }
0x39: {  	s18 =	sadd.s32 $0x40, s18;
	[tilespmem:s15+$0x1830 ss:$0x81] =	vst.msk $0xffff, v3  }
.Ltmp4:
0x3a: {  	_ = 	snop;
	(pc) =	sbr.rel .LBB1_4-.Ltmp4, $1  }
0x3b: {  	_ =	sdelay $0x3  }
.LBB1_6:
0x3c: {  	_ =	sfence.sel $0x180000  }
0x3d: {  	s2 =	simm.s32 $0x1;
	[bflag:$0x0] =	sbarrier.arrive $0xFFFF  }
0x3e: {  	s31 =	simm.s32 $0x2;
	[sflag:s2] =	ssyncpa.u1 $0x1  }
0x3f: {  	[sflag:s31] =	ssyncpa.u1 $0x1  }
0x40: {  	p0 =	sne.s32 s0, $0x0;
	_ =	strace $0x9000004A  }
0x41: {  	s0 =	sadd.s32 @!p0 $0x100000, s1;
	[bflag:$0x2] =	sbarrier.arrive $0xFFFF  }
0x42: {  	[sflag:s0] =	ssyncadd.tile.s32 @!p0 $0x1;
	_ =	shalt  }
.Lfunc_end1:
_tile_overlayer_lowered:
.L_overlay_start_2:
0x43: {  	(tag) =	ssettag $0x2  }
0x44: {  	s0 =	rddreg [dreg:$0x0];
	s2 =	stileid.u32  }
0x45: {  	s1 =	rddreg [dreg:$0x1];
	p0 =	sne.s32 s2, $0x0  }
0x46: {  	s3 =	rddreg [dreg:$0x2];
	[bflag:$0x3] =	sbarrier.arrive $0xFFFF;
	s2 =	simm.s32 @!p0 $0x1C01  }
0x47: {  	[timem:s3], [sflag:s2] =	dma.local @!p0 [hbm:s0], s1  }
0x48: {  	s0 =	simm.s32 @!p0 $0x1  }
0x49: {  	_ =	swait.ge @!p0 [sflag:s0], s1  }
0x4a: {  	s1 =	ssub.s32 @!p0 $0x0, s1;
	[sflag:s0] =	ssyncset.done @!p0 $0x0  }
0x4b: {  	[sflag:s0] =	ssyncadd.s32 @!p0 s1  }
0x4c: {  	[bflag:$0x3] =	sbarrier.arrive $0xFFFF  }
0x4d: {  	_ =	shalt  }

</sc_bundles>
